<compile_context>
chip_gen: v7x
topology: tpu7x:2x2x1
jax: 0.10.2.dev20260603
libtpu: 0.0.44.dev20260713+nightly
codegen_flags: <defaults>
</compile_context>

<pallas_src>
import functools

import jax
import jax.numpy as jnp
from jax import lax
from jax.experimental import pallas as pl
from jax.experimental.pallas import tpu as pltpu
from jax.experimental.pallas import tpu_sc as plsc

NC = 2
NS = 16
NW = NC * NS
CH = 128


def _sc_mesh():
    return plsc.VectorSubcoreMesh(core_axis_name="c", subcore_axis_name="s")


def _sc_degree(dst_flat, n, acc_rows):
    lw = dst_flat.shape[0] // NW

    @functools.partial(
        pl.kernel,
        out_type=jax.ShapeDtypeStruct((NW * acc_rows,), jnp.float32),
        mesh=_sc_mesh(),
        scratch_types=[
            pltpu.VMEM((lw,), jnp.int32),
            pltpu.VMEM((acc_rows,), jnp.float32),
        ],
        compiler_params=pltpu.CompilerParams(needs_layout_passes=False),
    )
    def deg_kernel(dst_hbm, out_hbm, idx_v, acc_v):
        c = lax.axis_index("c")
        s = lax.axis_index("s")
        w = s * NC + c
        pltpu.sync_copy(dst_hbm.at[pl.ds(w * lw, lw)], idx_v)

        def zero(i, _):
            acc_v[pl.ds(i * 16, 16)] = jnp.zeros((16,), jnp.float32)
            return 0

        lax.fori_loop(0, acc_rows // 16, zero, 0)

        ones = jnp.ones((16,), jnp.float32)

        def body(i, _):
            v = idx_v[pl.ds(i * 16, 16)]
            plsc.addupdate_scatter(acc_v, [v], ones)
            return 0

        lax.fori_loop(0, lw // 16, body, 0)
        pltpu.sync_copy(acc_v, out_hbm.at[pl.ds(w * acc_rows, acc_rows)])

    return deg_kernel(dst_flat)


def _sc_aggregate(g, src3, dst3, acc_rows):
    n, d = g.shape
    _, K, _ = src3.shape
    assert K % 2 == 0
    rows_per_sub = (n // NS) // 8 * 8
    tail0 = NS * rows_per_sub
    tail = n - tail0

    @functools.partial(
        pl.kernel,
        out_type=jax.ShapeDtypeStruct((NC, n, d), jnp.float32),
        mesh=_sc_mesh(),
        scratch_types=[
            pltpu.VMEM((K, CH), jnp.int32),
            pltpu.VMEM((CH,), jnp.int32),
            pltpu.VMEM((CH,), jnp.int32),
            pltpu.VMEM((CH, d), jnp.float32),
            pltpu.VMEM((CH, d), jnp.float32),
            pltpu.VMEM_SHARED((acc_rows, d), jnp.float32),
            pltpu.SemaphoreType.DMA,
            pltpu.SemaphoreType.DMA,
            pltpu.SemaphoreType.DMA,
            pltpu.SemaphoreType.DMA,
        ],
    )
    def agg_kernel(g_hbm, src_hbm, dst_hbm, out_hbm,
                   didx_v, si0, si1, rows0, rows1, acc_sh,
                   semi0, semi1, semr0, semr1):
        c = lax.axis_index("c")
        s = lax.axis_index("s")
        w = s * NC + c

        stage = (si0, si1)
        rows = (rows0, rows1)
        semi = (semi0, semi1)
        semr = (semr0, semr1)

        def idx_copy(j, p):
            return pltpu.make_async_copy(src_hbm.at[w, j], stage[p], semi[p])

        def row_copy(p):
            return pltpu.make_async_copy(g_hbm.at[stage[p]], rows[p], semr[p])

        pltpu.sync_copy(dst_hbm.at[w], didx_v)
        r0 = s * rows_per_sub
        pltpu.sync_copy(g_hbm.at[pl.ds(r0, rows_per_sub)],
                        acc_sh.at[pl.ds(r0, rows_per_sub)])

        @pl.when(s == 0)
        def _():
            pltpu.sync_copy(g_hbm.at[pl.ds(tail0, tail)],
                            acc_sh.at[pl.ds(tail0, tail)])

        plsc.subcore_barrier()

        idx_copy(0, 0).start()
        idx_copy(0, 0).wait()
        row_copy(0).start()
        idx_copy(1, 1).start()

        def body(j, p):
            row_copy(p).wait()

            @pl.when(j + 2 < K)
            def _():
                idx_copy(j + 2, p).start()

            @pl.when(j + 1 < K)
            def _():
                idx_copy(j + 1, 1 - p).wait()
                row_copy(1 - p).start()

            pltpu.sync_copy(rows[p], acc_sh.at[didx_v.at[j]], add=True)

        def outer(t, u):
            body(t * 2, 0)
            body(t * 2 + 1, 1)
            return u

        lax.fori_loop(0, K // 2, outer, 0)
        plsc.subcore_barrier()
        pltpu.sync_copy(acc_sh.at[pl.ds(r0, rows_per_sub)],
                        out_hbm.at[c, pl.ds(r0, rows_per_sub)])

        @pl.when(s == 0)
        def _():
            pltpu.sync_copy(acc_sh.at[pl.ds(tail0, tail)],
                            out_hbm.at[c, pl.ds(tail0, tail)])

    return agg_kernel(g, src3, dst3)


_TC_BLK = 2000


def _tc_dinv(parts, n):

    def body(p_ref, o_ref):
        deg = jnp.sum(p_ref[...], axis=0)[:n] + 1.0
        o_ref[...] = lax.rsqrt(deg).reshape(n, 1)

    return pl.pallas_call(
        body,
        out_shape=jax.ShapeDtypeStruct((n, 1), jnp.float32),
    )(parts)


def _tc_scale_matmul(x, w, dinv):
    n, d_in = x.shape
    d_out = w.shape[1]

    def body(x_ref, w_ref, dv_ref, g_ref):
        h = jnp.dot(x_ref[...], w_ref[...], preferred_element_type=jnp.float32)
        g_ref[...] = h * dv_ref[...]

    return pl.pallas_call(
        body,
        grid=(n // _TC_BLK,),
        in_specs=[
            pl.BlockSpec((_TC_BLK, d_in), lambda i: (i, 0)),
            pl.BlockSpec((d_in, d_out), lambda i: (0, 0)),
            pl.BlockSpec((_TC_BLK, 1), lambda i: (i, 0)),
        ],
        out_specs=pl.BlockSpec((_TC_BLK, d_out), lambda i: (i, 0)),
        out_shape=jax.ShapeDtypeStruct((n, d_out), jnp.float32),
    )(x, w, dinv)


def _tc_mid(acc, g1, dinv, b1, w2):
    n, d_h = g1.shape
    d_out = w2.shape[1]

    def body(a_ref, g_ref, dv_ref, b_ref, w_ref, o_ref):
        dinv_b = dv_ref[...]
        ssum = a_ref[0] + a_ref[1] - g_ref[...]
        h = jnp.maximum(ssum * dinv_b + b_ref[...], 0.0)
        h2 = jnp.dot(h, w_ref[...], preferred_element_type=jnp.float32)
        o_ref[...] = h2 * dinv_b

    return pl.pallas_call(
        body,
        grid=(n // _TC_BLK,),
        in_specs=[
            pl.BlockSpec((2, _TC_BLK, d_h), lambda i: (0, i, 0)),
            pl.BlockSpec((_TC_BLK, d_h), lambda i: (i, 0)),
            pl.BlockSpec((_TC_BLK, 1), lambda i: (i, 0)),
            pl.BlockSpec((1, d_h), lambda i: (0, 0)),
            pl.BlockSpec((d_h, d_out), lambda i: (0, 0)),
        ],
        out_specs=pl.BlockSpec((_TC_BLK, d_out), lambda i: (i, 0)),
        out_shape=jax.ShapeDtypeStruct((n, d_out), jnp.float32),
    )(acc, g1, dinv, b1, w2)


def _tc_final(acc, g2, dinv, b2, d_out):
    n, d_pad = g2.shape

    def body(a_ref, g_ref, dv_ref, b_ref, o_ref):
        ssum = a_ref[0] + a_ref[1] - g_ref[...]
        o_ref[...] = (ssum * dv_ref[...])[:, :d_out] + b_ref[...]

    return pl.pallas_call(
        body,
        grid=(n // _TC_BLK,),
        in_specs=[
            pl.BlockSpec((2, _TC_BLK, d_pad), lambda i: (0, i, 0)),
            pl.BlockSpec((_TC_BLK, d_pad), lambda i: (i, 0)),
            pl.BlockSpec((_TC_BLK, 1), lambda i: (i, 0)),
            pl.BlockSpec((1, d_out), lambda i: (0, 0)),
        ],
        out_specs=pl.BlockSpec((_TC_BLK, d_out), lambda i: (i, 0)),
        out_shape=jax.ShapeDtypeStruct((n, d_out), jnp.float32),
    )(acc, g2, dinv, b2)


def kernel(x, edge_index, W1, b1, W2, b2):
    n = x.shape[0]
    e = edge_index.shape[1]
    epw = e // NW
    k = -(-epw // CH)
    k += k % 2
    pad = k * CH - epw
    acc_rows = -(-(n + 1) // 16) * 16

    src2 = edge_index[0].reshape(NW, epw)
    dst2 = edge_index[1].reshape(NW, epw)
    src3 = jnp.pad(src2, ((0, 0), (0, pad))).reshape(NW, k, CH)
    dst3 = jnp.pad(dst2, ((0, 0), (0, pad)),
                   constant_values=n).reshape(NW, k, CH)

    deg_flat = jnp.pad(dst2, ((0, 0), (0, pad)),
                       constant_values=n).reshape(-1)
    degp = _sc_degree(deg_flat, n, acc_rows).reshape(NW, acc_rows)
    dinv = _tc_dinv(degp, n)

    d_lat = W2.shape[1]
    w2p = jnp.zeros((W2.shape[0], 128), W2.dtype).at[:, :d_lat].set(W2)

    g1 = _tc_scale_matmul(x, W1, dinv)
    acc1 = _sc_aggregate(g1, src3, dst3, acc_rows)
    g2 = _tc_mid(acc1, g1, dinv, b1.reshape(1, -1), w2p)
    acc2 = _sc_aggregate(g2, src3, dst3, acc_rows)
    z = _tc_final(acc2, g2, dinv, b2.reshape(1, -1), d_lat)
    return z

# --- scband reference (transcript-rebuilt; emitter-appended) ---
"""Pipeline reference for scband-gcnencoder-51539607552041 (READ-ONLY COPY).

The authoritative reference and input builder live on the scoring server;
editing this copy changes nothing except your own understanding.
"""

import jax, jax.numpy as jnp
import numpy as np

N = 10000
E = 320000
D_IN = 128
D_H = 128
D_LAT = 64


def setup_inputs(seed: int = 0) -> dict:
    key = jax.random.key(seed)
    k1, k2, k3, k4, k5, k6 = jax.random.split(key, 6)
    x = jax.random.normal(k1, (N, D_IN), dtype=jnp.float32)
    edge_index = jax.random.randint(k2, (2, E), 0, N, dtype=jnp.int32)
    W1 = jax.random.normal(k3, (D_IN, D_H), dtype=jnp.float32) * (1.0 / np.sqrt(D_IN))
    b1 = jnp.zeros((D_H,), dtype=jnp.float32)
    W2 = jax.random.normal(k4, (D_H, D_LAT), dtype=jnp.float32) * (1.0 / np.sqrt(D_H))
    b2 = jnp.zeros((D_LAT,), dtype=jnp.float32)
    return {"x": x, "edge_index": edge_index, "W1": W1, "b1": b1, "W2": W2, "b2": b2}


def _gcn_conv(x, edge_index, W, b):
    # PyG-style GCNConv: add self-loops, symmetric deg^-1/2 normalization,
    # linear transform, gather-scatter propagation, bias.
    src = edge_index[0]
    dst = edge_index[1]
    loop = jnp.arange(N, dtype=src.dtype)
    src = jnp.concatenate([src, loop])
    dst = jnp.concatenate([dst, loop])
    deg = jnp.zeros((N,), dtype=x.dtype).at[dst].add(1.0)
    dinv = jnp.where(deg > 0, jax.lax.rsqrt(jnp.maximum(deg, 1e-12)), 0.0)
    norm = dinv[src] * dinv[dst]
    h = x @ W
    msg = h[src] * norm[:, None]
    out = jnp.zeros((N, W.shape[1]), dtype=x.dtype).at[dst].add(msg)
    return out + b


def reference(x, edge_index, W1, b1, W2, b2):
    h = _gcn_conv(x, edge_index, W1, b1)
    h = jax.nn.relu(h)
    z = _gcn_conv(h, edge_index, W2, b2)
    return z

if __name__ == "__main__":
    import jax
    _d = setup_inputs()
    print(jax.jit(kernel)(*tuple(_d.values())))

</pallas_src>

<mosaic_0001>
#map = affine_map<(d0, d1) -> (0, 0)>
#map1 = affine_map<(d0, d1) -> (0, 0, 0)>
module attributes {stable_mosaic.version = 14 : i64} {
  func.func @agg_kernel(%arg0: i32, %arg1: i32, %arg2: memref<10000x128xf32, #tpu.memory_space<hbm>>, %arg3: memref<32x80x128xi32, #tpu.memory_space<hbm>>, %arg4: memref<32x80x128xi32, #tpu.memory_space<hbm>>, %arg5: memref<2x10000x128xf32, #tpu.memory_space<hbm>>, %arg6: memref<80x128xi32, #tpu.memory_space<vmem>>, %arg7: memref<128xi32, #tpu.memory_space<vmem>>, %arg8: memref<128xi32, #tpu.memory_space<vmem>>, %arg9: memref<128x128xf32, #tpu.memory_space<vmem>>, %arg10: memref<128x128xf32, #tpu.memory_space<vmem>>, %arg11: memref<10016x128xf32, #tpu.memory_space<vmem_shared>>, %arg12: memref<!tpu.dma_semaphore, #tpu.memory_space<semaphore_mem>>, %arg13: memref<!tpu.dma_semaphore, #tpu.memory_space<semaphore_mem>>, %arg14: memref<!tpu.dma_semaphore, #tpu.memory_space<semaphore_mem>>, %arg15: memref<!tpu.dma_semaphore, #tpu.memory_space<semaphore_mem>>) attributes {dimension_semantics = [#tpu.dimension_semantics<core_parallel>, #tpu.dimension_semantics<subcore_parallel>], iteration_bounds = array<i64: 2, 16>, scalar_prefetch = 0 : i64, scratch_operands = 10 : i64, tpu.core_type = #tpu.core_type<sc_vector_subcore>, window_params = [{transform_indices = #map}, {transform_indices = #map1}, {transform_indices = #map1}, {transform_indices = #map1}]} {
    %mul3A = arith.constant 2 : i32
    %mul3A_0 = arith.muli %arg1, %mul3A : i32
    %add3A = arith.addi %mul3A_0, %arg0 : i32
    "tpu.region"() ({
      %run_scoped3A = tpu.sem_alloc : memref<!tpu.dma_semaphore, #tpu.memory_space<semaphore_mem>>
      %dma_start3A_38 = arith.constant 0 : i32
      %dma_start3A_39 = arith.constant 0 : i32
      %dma_start3A_40 = tpu.memref_slice %arg4[%add3A, %dma_start3A_38, %dma_start3A_39] : memref<32x80x128xi32, #tpu.memory_space<hbm>> -> memref<1x80x128xi32, #tpu.memory_space<hbm>>
      %dma_start3A_41 = tpu.memref_squeeze %dma_start3A_40 : memref<1x80x128xi32, #tpu.memory_space<hbm>> -> memref<80x128xi32, #tpu.memory_space<hbm>>
      %dma_start3A_42 = arith.constant 0 : i32
      %dma_start3A_43 = arith.constant 0 : i32
      %dma_start3A_44 = tpu.memref_slice %arg4[%add3A, %dma_start3A_42, %dma_start3A_43] : memref<32x80x128xi32, #tpu.memory_space<hbm>> -> memref<1x80x128xi32, #tpu.memory_space<hbm>>
      %dma_start3A_45 = tpu.memref_squeeze %dma_start3A_44 : memref<1x80x128xi32, #tpu.memory_space<hbm>> -> memref<80x128xi32, #tpu.memory_space<hbm>>
      tpu.enqueue_dma source(%dma_start3A_45 : memref<80x128xi32, #tpu.memory_space<hbm>>) target(%arg6 : memref<80x128xi32, #tpu.memory_space<vmem>>) target_semaphore(%run_scoped3A : memref<!tpu.dma_semaphore, #tpu.memory_space<semaphore_mem>>)
      %dma_wait3A_46 = arith.constant 0 : i32
      %dma_wait3A_47 = arith.constant 0 : i32
      %dma_wait3A_48 = tpu.memref_slice %arg4[%add3A, %dma_wait3A_46, %dma_wait3A_47] : memref<32x80x128xi32, #tpu.memory_space<hbm>> -> memref<1x80x128xi32, #tpu.memory_space<hbm>>
      %dma_wait3A_49 = tpu.memref_squeeze %dma_wait3A_48 : memref<1x80x128xi32, #tpu.memory_space<hbm>> -> memref<80x128xi32, #tpu.memory_space<hbm>>
      %dma_wait3A_50 = arith.constant 0 : i32
      %dma_wait3A_51 = arith.constant 0 : i32
      %dma_wait3A_52 = tpu.memref_slice %arg4[%add3A, %dma_wait3A_50, %dma_wait3A_51] : memref<32x80x128xi32, #tpu.memory_space<hbm>> -> memref<1x80x128xi32, #tpu.memory_space<hbm>>
      %dma_wait3A_53 = tpu.memref_squeeze %dma_wait3A_52 : memref<1x80x128xi32, #tpu.memory_space<hbm>> -> memref<80x128xi32, #tpu.memory_space<hbm>>
      tpu.wait_dma2 semaphore(%run_scoped3A : memref<!tpu.dma_semaphore, #tpu.memory_space<semaphore_mem>>) src(%dma_wait3A_53 : memref<80x128xi32, #tpu.memory_space<hbm>>) dst(%arg6 : memref<80x128xi32, #tpu.memory_space<vmem>>)
      tpu.yield
    }) : () -> ()
    %mul3A_1 = arith.constant 624 : i32
    %mul3A_2 = arith.muli %arg1, %mul3A_1 : i32
    "tpu.region"() ({
      %run_scoped3A = tpu.sem_alloc : memref<!tpu.dma_semaphore, #tpu.memory_space<semaphore_mem>>
      %dma_start3A_38 = arith.constant 0 : i32
      %dma_start3A_39 = tpu.memref_slice %arg11[%mul3A_2, %dma_start3A_38] : memref<10016x128xf32, #tpu.memory_space<vmem_shared>> -> memref<624x128xf32, #tpu.memory_space<vmem_shared>>
      %dma_start3A_40 = arith.constant 0 : i32
      %dma_start3A_41 = tpu.memref_slice %arg2[%mul3A_2, %dma_start3A_40] : memref<10000x128xf32, #tpu.memory_space<hbm>> -> memref<624x128xf32, #tpu.memory_space<hbm>>
      tpu.enqueue_dma source(%dma_start3A_41 : memref<624x128xf32, #tpu.memory_space<hbm>>) target(%dma_start3A_39 : memref<624x128xf32, #tpu.memory_space<vmem_shared>>) target_semaphore(%run_scoped3A : memref<!tpu.dma_semaphore, #tpu.memory_space<semaphore_mem>>)
      %dma_wait3A_42 = arith.constant 0 : i32
      %dma_wait3A_43 = tpu.memref_slice %arg11[%mul3A_2, %dma_wait3A_42] : memref<10016x128xf32, #tpu.memory_space<vmem_shared>> -> memref<624x128xf32, #tpu.memory_space<vmem_shared>>
      %dma_wait3A_44 = arith.constant 0 : i32
      %dma_wait3A_45 = tpu.memref_slice %arg2[%mul3A_2, %dma_wait3A_44] : memref<10000x128xf32, #tpu.memory_space<hbm>> -> memref<624x128xf32, #tpu.memory_space<hbm>>
      tpu.wait_dma2 semaphore(%run_scoped3A : memref<!tpu.dma_semaphore, #tpu.memory_space<semaphore_mem>>) src(%dma_wait3A_45 : memref<624x128xf32, #tpu.memory_space<hbm>>) dst(%dma_wait3A_43 : memref<624x128xf32, #tpu.memory_space<vmem_shared>>)
      tpu.yield
    }) : () -> ()
    %eq3A = arith.constant 0 : i32
    %eq3A_3 = arith.cmpi eq, %arg1, %eq3A : i32
    %convert_element_type3A = arith.extui %eq3A_3 : i1 to i32
    %cond3A = arith.constant 0 : i32
    %cond3A_4 = arith.cmpi ne, %convert_element_type3A, %cond3A : i32
    scf.if %cond3A_4 {
      "tpu.region"() ({
        %run_scoped3A = tpu.sem_alloc : memref<!tpu.dma_semaphore, #tpu.memory_space<semaphore_mem>>
        %dma_start3A_38 = arith.constant 9984 : i32
        %dma_start3A_39 = arith.constant 0 : i32
        %dma_start3A_40 = tpu.memref_slice %arg11[%dma_start3A_38, %dma_start3A_39] : memref<10016x128xf32, #tpu.memory_space<vmem_shared>> -> memref<16x128xf32, #tpu.memory_space<vmem_shared>>
        %dma_start3A_41 = arith.constant 9984 : i32
        %dma_start3A_42 = arith.constant 0 : i32
        %dma_start3A_43 = tpu.memref_slice %arg2[%dma_start3A_41, %dma_start3A_42] : memref<10000x128xf32, #tpu.memory_space<hbm>> -> memref<16x128xf32, #tpu.memory_space<hbm>>
        tpu.enqueue_dma source(%dma_start3A_43 : memref<16x128xf32, #tpu.memory_space<hbm>>) target(%dma_start3A_40 : memref<16x128xf32, #tpu.memory_space<vmem_shared>>) target_semaphore(%run_scoped3A : memref<!tpu.dma_semaphore, #tpu.memory_space<semaphore_mem>>)
        %dma_wait3A_44 = arith.constant 9984 : i32
        %dma_wait3A_45 = arith.constant 0 : i32
        %dma_wait3A_46 = tpu.memref_slice %arg11[%dma_wait3A_44, %dma_wait3A_45] : memref<10016x128xf32, #tpu.memory_space<vmem_shared>> -> memref<16x128xf32, #tpu.memory_space<vmem_shared>>
        %dma_wait3A_47 = arith.constant 9984 : i32
        %dma_wait3A_48 = arith.constant 0 : i32
        %dma_wait3A_49 = tpu.memref_slice %arg2[%dma_wait3A_47, %dma_wait3A_48] : memref<10000x128xf32, #tpu.memory_space<hbm>> -> memref<16x128xf32, #tpu.memory_space<hbm>>
        tpu.wait_dma2 semaphore(%run_scoped3A : memref<!tpu.dma_semaphore, #tpu.memory_space<semaphore_mem>>) src(%dma_wait3A_49 : memref<16x128xf32, #tpu.memory_space<hbm>>) dst(%dma_wait3A_46 : memref<16x128xf32, #tpu.memory_space<vmem_shared>>)
        tpu.yield
      }) : () -> ()
    } else {
    }
    %barrier3A = arith.constant 0 : index
    tpu.barrier barrier_id(%barrier3A)
    %dma_start3A = arith.constant 0 : i32
    %dma_start3A_5 = arith.constant 0 : i32
    %dma_start3A_6 = tpu.memref_slice %arg3[%add3A, %dma_start3A, %dma_start3A_5] : memref<32x80x128xi32, #tpu.memory_space<hbm>> -> memref<1x1x128xi32, #tpu.memory_space<hbm>>
    %dma_start3A_7 = tpu.memref_squeeze %dma_start3A_6 : memref<1x1x128xi32, #tpu.memory_space<hbm>> -> memref<128xi32, #tpu.memory_space<hbm>>
    %dma_start3A_8 = arith.constant 0 : i32
    %dma_start3A_9 = tpu.memref_slice %arg3[%add3A, %dma_start3A, %dma_start3A_8] : memref<32x80x128xi32, #tpu.memory_space<hbm>> -> memref<1x1x128xi32, #tpu.memory_space<hbm>>
    %dma_start3A_10 = tpu.memref_squeeze %dma_start3A_9 : memref<1x1x128xi32, #tpu.memory_space<hbm>> -> memref<128xi32, #tpu.memory_space<hbm>>
    tpu.enqueue_dma source(%dma_start3A_10 : memref<128xi32, #tpu.memory_space<hbm>>) target(%arg7 : memref<128xi32, #tpu.memory_space<vmem>>) target_semaphore(%arg12 : memref<!tpu.dma_semaphore, #tpu.memory_space<semaphore_mem>>)
    %dma_wait3A = arith.constant 0 : i32
    %dma_wait3A_11 = arith.constant 0 : i32
    %dma_wait3A_12 = tpu.memref_slice %arg3[%add3A, %dma_wait3A, %dma_wait3A_11] : memref<32x80x128xi32, #tpu.memory_space<hbm>> -> memref<1x1x128xi32, #tpu.memory_space<hbm>>
    %dma_wait3A_13 = tpu.memref_squeeze %dma_wait3A_12 : memref<1x1x128xi32, #tpu.memory_space<hbm>> -> memref<128xi32, #tpu.memory_space<hbm>>
    %dma_wait3A_14 = arith.constant 0 : i32
    %dma_wait3A_15 = tpu.memref_slice %arg3[%add3A, %dma_wait3A, %dma_wait3A_14] : memref<32x80x128xi32, #tpu.memory_space<hbm>> -> memref<1x1x128xi32, #tpu.memory_space<hbm>>
    %dma_wait3A_16 = tpu.memref_squeeze %dma_wait3A_15 : memref<1x1x128xi32, #tpu.memory_space<hbm>> -> memref<128xi32, #tpu.memory_space<hbm>>
    tpu.wait_dma2 semaphore(%arg12 : memref<!tpu.dma_semaphore, #tpu.memory_space<semaphore_mem>>) src(%dma_wait3A_16 : memref<128xi32, #tpu.memory_space<hbm>>) dst(%arg7 : memref<128xi32, #tpu.memory_space<vmem>>)
    %dma_start3A_17 = arith.constant 0 : i32
    %dma_start3A_18 = arith.constant 0 : i32
    %dma_start3A_19 = tpu.memref_slice %arg2[%dma_start3A_17, %dma_start3A_18] : memref<10000x128xf32, #tpu.memory_space<hbm>> -> memref<10000x128xf32, #tpu.memory_space<hbm>>
    tpu.enqueue_indirect_dma source(%dma_start3A_19 : memref<10000x128xf32, #tpu.memory_space<hbm>>) target(%arg9 : memref<128x128xf32, #tpu.memory_space<vmem>>) offsets(%arg7 : memref<128xi32, #tpu.memory_space<vmem>>) semaphore(%arg14 : memref<!tpu.dma_semaphore, #tpu.memory_space<semaphore_mem>>)
    %dma_start3A_20 = arith.constant 1 : i32
    %dma_start3A_21 = arith.constant 0 : i32
    %dma_start3A_22 = tpu.memref_slice %arg3[%add3A, %dma_start3A_20, %dma_start3A_21] : memref<32x80x128xi32, #tpu.memory_space<hbm>> -> memref<1x1x128xi32, #tpu.memory_space<hbm>>
    %dma_start3A_23 = tpu.memref_squeeze %dma_start3A_22 : memref<1x1x128xi32, #tpu.memory_space<hbm>> -> memref<128xi32, #tpu.memory_space<hbm>>
    %dma_start3A_24 = arith.constant 0 : i32
    %dma_start3A_25 = tpu.memref_slice %arg3[%add3A, %dma_start3A_20, %dma_start3A_24] : memref<32x80x128xi32, #tpu.memory_space<hbm>> -> memref<1x1x128xi32, #tpu.memory_space<hbm>>
    %dma_start3A_26 = tpu.memref_squeeze %dma_start3A_25 : memref<1x1x128xi32, #tpu.memory_space<hbm>> -> memref<128xi32, #tpu.memory_space<hbm>>
    tpu.enqueue_dma source(%dma_start3A_26 : memref<128xi32, #tpu.memory_space<hbm>>) target(%arg8 : memref<128xi32, #tpu.memory_space<vmem>>) target_semaphore(%arg13 : memref<!tpu.dma_semaphore, #tpu.memory_space<semaphore_mem>>)
    %scan3A = arith.constant 0 : i32
    %scan3A_27 = arith.constant 0 : i32
    %scan3A_28 = arith.constant 40 : i32
    %scan3A_29 = arith.addi %scan3A_27, %scan3A_28 : i32
    %scan3A_30 = arith.constant 1 : i32
    scf.for %scan3A_38 = %scan3A_27 to %scan3A_29 step %scan3A_30  : i32 {
      %mul3A_39 = arith.constant 2 : i32
      %mul3A_40 = arith.muli %scan3A_38, %mul3A_39 : i32
      %dma_wait3A_41 = arith.constant 0 : i32
      %dma_wait3A_42 = arith.constant 0 : i32
      %dma_wait3A_43 = tpu.memref_slice %arg2[%dma_wait3A_41, %dma_wait3A_42] : memref<10000x128xf32, #tpu.memory_space<hbm>> -> memref<10000x128xf32, #tpu.memory_space<hbm>>
      tpu.wait_indirect_dma semaphore(%arg14 : memref<!tpu.dma_semaphore, #tpu.memory_space<semaphore_mem>>) src(%dma_wait3A_43 : memref<10000x128xf32, #tpu.memory_space<hbm>>) dst(%arg9 : memref<128x128xf32, #tpu.memory_space<vmem>>)
      %add3A_44 = arith.constant 2 : i32
      %add3A_45 = arith.addi %mul3A_40, %add3A_44 : i32
      %lt3A = arith.constant 80 : i32
      %lt3A_46 = arith.cmpi slt, %add3A_45, %lt3A : i32
      %convert_element_type3A_47 = arith.extui %lt3A_46 : i1 to i32
      %cond3A_48 = arith.constant 0 : i32
      %cond3A_49 = arith.cmpi ne, %convert_element_type3A_47, %cond3A_48 : i32
      scf.if %cond3A_49 {
        %add3A_78 = arith.constant 2 : i32
        %add3A_79 = arith.addi %mul3A_40, %add3A_78 : i32
        %dma_start3A_80 = arith.constant 0 : i32
        %dma_start3A_81 = tpu.memref_slice %arg3[%add3A, %add3A_79, %dma_start3A_80] : memref<32x80x128xi32, #tpu.memory_space<hbm>> -> memref<1x1x128xi32, #tpu.memory_space<hbm>>
        %dma_start3A_82 = tpu.memref_squeeze %dma_start3A_81 : memref<1x1x128xi32, #tpu.memory_space<hbm>> -> memref<128xi32, #tpu.memory_space<hbm>>
        %dma_start3A_83 = arith.constant 0 : i32
        %dma_start3A_84 = tpu.memref_slice %arg3[%add3A, %add3A_79, %dma_start3A_83] : memref<32x80x128xi32, #tpu.memory_space<hbm>> -> memref<1x1x128xi32, #tpu.memory_space<hbm>>
        %dma_start3A_85 = tpu.memref_squeeze %dma_start3A_84 : memref<1x1x128xi32, #tpu.memory_space<hbm>> -> memref<128xi32, #tpu.memory_space<hbm>>
        tpu.enqueue_dma source(%dma_start3A_85 : memref<128xi32, #tpu.memory_space<hbm>>) target(%arg7 : memref<128xi32, #tpu.memory_space<vmem>>) target_semaphore(%arg12 : memref<!tpu.dma_semaphore, #tpu.memory_space<semaphore_mem>>)
      } else {
      }
      %add3A_50 = arith.constant 1 : i32
      %add3A_51 = arith.addi %mul3A_40, %add3A_50 : i32
      %lt3A_52 = arith.constant 80 : i32
      %lt3A_53 = arith.cmpi slt, %add3A_51, %lt3A_52 : i32
      %convert_element_type3A_54 = arith.extui %lt3A_53 : i1 to i32
      %cond3A_55 = arith.constant 0 : i32
      %cond3A_56 = arith.cmpi ne, %convert_element_type3A_54, %cond3A_55 : i32
      scf.if %cond3A_56 {
        %add3A_78 = arith.constant 1 : i32
        %add3A_79 = arith.addi %mul3A_40, %add3A_78 : i32
        %dma_wait3A_80 = arith.constant 0 : i32
        %dma_wait3A_81 = tpu.memref_slice %arg3[%add3A, %add3A_79, %dma_wait3A_80] : memref<32x80x128xi32, #tpu.memory_space<hbm>> -> memref<1x1x128xi32, #tpu.memory_space<hbm>>
        %dma_wait3A_82 = tpu.memref_squeeze %dma_wait3A_81 : memref<1x1x128xi32, #tpu.memory_space<hbm>> -> memref<128xi32, #tpu.memory_space<hbm>>
        %dma_wait3A_83 = arith.constant 0 : i32
        %dma_wait3A_84 = tpu.memref_slice %arg3[%add3A, %add3A_79, %dma_wait3A_83] : memref<32x80x128xi32, #tpu.memory_space<hbm>> -> memref<1x1x128xi32, #tpu.memory_space<hbm>>
        %dma_wait3A_85 = tpu.memref_squeeze %dma_wait3A_84 : memref<1x1x128xi32, #tpu.memory_space<hbm>> -> memref<128xi32, #tpu.memory_space<hbm>>
        tpu.wait_dma2 semaphore(%arg13 : memref<!tpu.dma_semaphore, #tpu.memory_space<semaphore_mem>>) src(%dma_wait3A_85 : memref<128xi32, #tpu.memory_space<hbm>>) dst(%arg8 : memref<128xi32, #tpu.memory_space<vmem>>)
        %dma_start3A_86 = arith.constant 0 : i32
        %dma_start3A_87 = arith.constant 0 : i32
        %dma_start3A_88 = tpu.memref_slice %arg2[%dma_start3A_86, %dma_start3A_87] : memref<10000x128xf32, #tpu.memory_space<hbm>> -> memref<10000x128xf32, #tpu.memory_space<hbm>>
        tpu.enqueue_indirect_dma source(%dma_start3A_88 : memref<10000x128xf32, #tpu.memory_space<hbm>>) target(%arg10 : memref<128x128xf32, #tpu.memory_space<vmem>>) offsets(%arg8 : memref<128xi32, #tpu.memory_space<vmem>>) semaphore(%arg15 : memref<!tpu.dma_semaphore, #tpu.memory_space<semaphore_mem>>)
      } else {
      }
      "tpu.region"() ({
        %run_scoped3A = tpu.sem_alloc : memref<!tpu.dma_semaphore, #tpu.memory_space<semaphore_mem>>
        %dma_start3A_78 = arith.constant 0 : i32
        %dma_start3A_79 = tpu.memref_slice %arg6[%mul3A_40, %dma_start3A_78] : memref<80x128xi32, #tpu.memory_space<vmem>> -> memref<1x128xi32, #tpu.memory_space<vmem>>
        %dma_start3A_80 = tpu.memref_squeeze %dma_start3A_79 : memref<1x128xi32, #tpu.memory_space<vmem>> -> memref<128xi32, #tpu.memory_space<vmem>>
        %dma_start3A_81 = arith.constant 0 : i32
        %dma_start3A_82 = arith.constant 0 : i32
        %dma_start3A_83 = tpu.memref_slice %arg11[%dma_start3A_81, %dma_start3A_82] : memref<10016x128xf32, #tpu.memory_space<vmem_shared>> -> memref<10016x128xf32, #tpu.memory_space<vmem_shared>>
        tpu.enqueue_indirect_dma source(%arg9 : memref<128x128xf32, #tpu.memory_space<vmem>>) target(%dma_start3A_83 : memref<10016x128xf32, #tpu.memory_space<vmem_shared>>) offsets(%dma_start3A_80 : memref<128xi32, #tpu.memory_space<vmem>>) semaphore(%run_scoped3A : memref<!tpu.dma_semaphore, #tpu.memory_space<semaphore_mem>>) {add = true}
        %dma_wait3A_84 = arith.constant 0 : i32
        %dma_wait3A_85 = tpu.memref_slice %arg6[%mul3A_40, %dma_wait3A_84] : memref<80x128xi32, #tpu.memory_space<vmem>> -> memref<1x128xi32, #tpu.memory_space<vmem>>
        %dma_wait3A_86 = tpu.memref_squeeze %dma_wait3A_85 : memref<1x128xi32, #tpu.memory_space<vmem>> -> memref<128xi32, #tpu.memory_space<vmem>>
        %dma_wait3A_87 = arith.constant 0 : i32
        %dma_wait3A_88 = arith.constant 0 : i32
        %dma_wait3A_89 = tpu.memref_slice %arg11[%dma_wait3A_87, %dma_wait3A_88] : memref<10016x128xf32, #tpu.memory_space<vmem_shared>> -> memref<10016x128xf32, #tpu.memory_space<vmem_shared>>
        tpu.wait_indirect_dma semaphore(%run_scoped3A : memref<!tpu.dma_semaphore, #tpu.memory_space<semaphore_mem>>) src(%arg9 : memref<128x128xf32, #tpu.memory_space<vmem>>) dst(%dma_wait3A_89 : memref<10016x128xf32, #tpu.memory_space<vmem_shared>>)
        tpu.yield
      }) : () -> ()
      %mul3A_57 = arith.constant 2 : i32
      %mul3A_58 = arith.muli %scan3A_38, %mul3A_57 : i32
      %add3A_59 = arith.constant 1 : i32
      %add3A_60 = arith.addi %mul3A_58, %add3A_59 : i32
      %dma_wait3A_61 = arith.constant 0 : i32
      %dma_wait3A_62 = arith.constant 0 : i32
      %dma_wait3A_63 = tpu.memref_slice %arg2[%dma_wait3A_61, %dma_wait3A_62] : memref<10000x128xf32, #tpu.memory_space<hbm>> -> memref<10000x128xf32, #tpu.memory_space<hbm>>
      tpu.wait_indirect_dma semaphore(%arg15 : memref<!tpu.dma_semaphore, #tpu.memory_space<semaphore_mem>>) src(%dma_wait3A_63 : memref<10000x128xf32, #tpu.memory_space<hbm>>) dst(%arg10 : memref<128x128xf32, #tpu.memory_space<vmem>>)
      %add3A_64 = arith.constant 2 : i32
      %add3A_65 = arith.addi %add3A_60, %add3A_64 : i32
      %lt3A_66 = arith.constant 80 : i32
      %lt3A_67 = arith.cmpi slt, %add3A_65, %lt3A_66 : i32
      %convert_element_type3A_68 = arith.extui %lt3A_67 : i1 to i32
      %cond3A_69 = arith.constant 0 : i32
      %cond3A_70 = arith.cmpi ne, %convert_element_type3A_68, %cond3A_69 : i32
      scf.if %cond3A_70 {
        %add3A_78 = arith.constant 2 : i32
        %add3A_79 = arith.addi %add3A_60, %add3A_78 : i32
        %dma_start3A_80 = arith.constant 0 : i32
        %dma_start3A_81 = tpu.memref_slice %arg3[%add3A, %add3A_79, %dma_start3A_80] : memref<32x80x128xi32, #tpu.memory_space<hbm>> -> memref<1x1x128xi32, #tpu.memory_space<hbm>>
        %dma_start3A_82 = tpu.memref_squeeze %dma_start3A_81 : memref<1x1x128xi32, #tpu.memory_space<hbm>> -> memref<128xi32, #tpu.memory_space<hbm>>
        %dma_start3A_83 = arith.constant 0 : i32
        %dma_start3A_84 = tpu.memref_slice %arg3[%add3A, %add3A_79, %dma_start3A_83] : memref<32x80x128xi32, #tpu.memory_space<hbm>> -> memref<1x1x128xi32, #tpu.memory_space<hbm>>
        %dma_start3A_85 = tpu.memref_squeeze %dma_start3A_84 : memref<1x1x128xi32, #tpu.memory_space<hbm>> -> memref<128xi32, #tpu.memory_space<hbm>>
        tpu.enqueue_dma source(%dma_start3A_85 : memref<128xi32, #tpu.memory_space<hbm>>) target(%arg8 : memref<128xi32, #tpu.memory_space<vmem>>) target_semaphore(%arg13 : memref<!tpu.dma_semaphore, #tpu.memory_space<semaphore_mem>>)
      } else {
      }
      %add3A_71 = arith.constant 1 : i32
      %add3A_72 = arith.addi %add3A_60, %add3A_71 : i32
      %lt3A_73 = arith.constant 80 : i32
      %lt3A_74 = arith.cmpi slt, %add3A_72, %lt3A_73 : i32
      %convert_element_type3A_75 = arith.extui %lt3A_74 : i1 to i32
      %cond3A_76 = arith.constant 0 : i32
      %cond3A_77 = arith.cmpi ne, %convert_element_type3A_75, %cond3A_76 : i32
      scf.if %cond3A_77 {
        %add3A_78 = arith.constant 1 : i32
        %add3A_79 = arith.addi %add3A_60, %add3A_78 : i32
        %dma_wait3A_80 = arith.constant 0 : i32
        %dma_wait3A_81 = tpu.memref_slice %arg3[%add3A, %add3A_79, %dma_wait3A_80] : memref<32x80x128xi32, #tpu.memory_space<hbm>> -> memref<1x1x128xi32, #tpu.memory_space<hbm>>
        %dma_wait3A_82 = tpu.memref_squeeze %dma_wait3A_81 : memref<1x1x128xi32, #tpu.memory_space<hbm>> -> memref<128xi32, #tpu.memory_space<hbm>>
        %dma_wait3A_83 = arith.constant 0 : i32
        %dma_wait3A_84 = tpu.memref_slice %arg3[%add3A, %add3A_79, %dma_wait3A_83] : memref<32x80x128xi32, #tpu.memory_space<hbm>> -> memref<1x1x128xi32, #tpu.memory_space<hbm>>
        %dma_wait3A_85 = tpu.memref_squeeze %dma_wait3A_84 : memref<1x1x128xi32, #tpu.memory_space<hbm>> -> memref<128xi32, #tpu.memory_space<hbm>>
        tpu.wait_dma2 semaphore(%arg12 : memref<!tpu.dma_semaphore, #tpu.memory_space<semaphore_mem>>) src(%dma_wait3A_85 : memref<128xi32, #tpu.memory_space<hbm>>) dst(%arg7 : memref<128xi32, #tpu.memory_space<vmem>>)
        %dma_start3A_86 = arith.constant 0 : i32
        %dma_start3A_87 = arith.constant 0 : i32
        %dma_start3A_88 = tpu.memref_slice %arg2[%dma_start3A_86, %dma_start3A_87] : memref<10000x128xf32, #tpu.memory_space<hbm>> -> memref<10000x128xf32, #tpu.memory_space<hbm>>
        tpu.enqueue_indirect_dma source(%dma_start3A_88 : memref<10000x128xf32, #tpu.memory_space<hbm>>) target(%arg9 : memref<128x128xf32, #tpu.memory_space<vmem>>) offsets(%arg7 : memref<128xi32, #tpu.memory_space<vmem>>) semaphore(%arg14 : memref<!tpu.dma_semaphore, #tpu.memory_space<semaphore_mem>>)
      } else {
      }
      "tpu.region"() ({
        %run_scoped3A = tpu.sem_alloc : memref<!tpu.dma_semaphore, #tpu.memory_space<semaphore_mem>>
        %dma_start3A_78 = arith.constant 0 : i32
        %dma_start3A_79 = tpu.memref_slice %arg6[%add3A_60, %dma_start3A_78] : memref<80x128xi32, #tpu.memory_space<vmem>> -> memref<1x128xi32, #tpu.memory_space<vmem>>
        %dma_start3A_80 = tpu.memref_squeeze %dma_start3A_79 : memref<1x128xi32, #tpu.memory_space<vmem>> -> memref<128xi32, #tpu.memory_space<vmem>>
        %dma_start3A_81 = arith.constant 0 : i32
        %dma_start3A_82 = arith.constant 0 : i32
        %dma_start3A_83 = tpu.memref_slice %arg11[%dma_start3A_81, %dma_start3A_82] : memref<10016x128xf32, #tpu.memory_space<vmem_shared>> -> memref<10016x128xf32, #tpu.memory_space<vmem_shared>>
        tpu.enqueue_indirect_dma source(%arg10 : memref<128x128xf32, #tpu.memory_space<vmem>>) target(%dma_start3A_83 : memref<10016x128xf32, #tpu.memory_space<vmem_shared>>) offsets(%dma_start3A_80 : memref<128xi32, #tpu.memory_space<vmem>>) semaphore(%run_scoped3A : memref<!tpu.dma_semaphore, #tpu.memory_space<semaphore_mem>>) {add = true}
        %dma_wait3A_84 = arith.constant 0 : i32
        %dma_wait3A_85 = tpu.memref_slice %arg6[%add3A_60, %dma_wait3A_84] : memref<80x128xi32, #tpu.memory_space<vmem>> -> memref<1x128xi32, #tpu.memory_space<vmem>>
        %dma_wait3A_86 = tpu.memref_squeeze %dma_wait3A_85 : memref<1x128xi32, #tpu.memory_space<vmem>> -> memref<128xi32, #tpu.memory_space<vmem>>
        %dma_wait3A_87 = arith.constant 0 : i32
        %dma_wait3A_88 = arith.constant 0 : i32
        %dma_wait3A_89 = tpu.memref_slice %arg11[%dma_wait3A_87, %dma_wait3A_88] : memref<10016x128xf32, #tpu.memory_space<vmem_shared>> -> memref<10016x128xf32, #tpu.memory_space<vmem_shared>>
        tpu.wait_indirect_dma semaphore(%run_scoped3A : memref<!tpu.dma_semaphore, #tpu.memory_space<semaphore_mem>>) src(%arg10 : memref<128x128xf32, #tpu.memory_space<vmem>>) dst(%dma_wait3A_89 : memref<10016x128xf32, #tpu.memory_space<vmem_shared>>)
        tpu.yield
      }) : () -> ()
    }
    %scan3A_31 = arith.constant 40 : i32
    %barrier3A_32 = arith.constant 0 : index
    tpu.barrier barrier_id(%barrier3A_32)
    "tpu.region"() ({
      %run_scoped3A = tpu.sem_alloc : memref<!tpu.dma_semaphore, #tpu.memory_space<semaphore_mem>>
      %dma_start3A_38 = arith.constant 0 : i32
      %dma_start3A_39 = tpu.memref_slice %arg5[%arg0, %mul3A_2, %dma_start3A_38] : memref<2x10000x128xf32, #tpu.memory_space<hbm>> -> memref<1x624x128xf32, #tpu.memory_space<hbm>>
      %dma_start3A_40 = tpu.memref_squeeze %dma_start3A_39 : memref<1x624x128xf32, #tpu.memory_space<hbm>> -> memref<624x128xf32, #tpu.memory_space<hbm>>
      %dma_start3A_41 = arith.constant 0 : i32
      %dma_start3A_42 = tpu.memref_slice %arg11[%mul3A_2, %dma_start3A_41] : memref<10016x128xf32, #tpu.memory_space<vmem_shared>> -> memref<624x128xf32, #tpu.memory_space<vmem_shared>>
      tpu.enqueue_dma source(%dma_start3A_42 : memref<624x128xf32, #tpu.memory_space<vmem_shared>>) target(%dma_start3A_40 : memref<624x128xf32, #tpu.memory_space<hbm>>) target_semaphore(%run_scoped3A : memref<!tpu.dma_semaphore, #tpu.memory_space<semaphore_mem>>)
      %dma_wait3A_43 = arith.constant 0 : i32
      %dma_wait3A_44 = tpu.memref_slice %arg5[%arg0, %mul3A_2, %dma_wait3A_43] : memref<2x10000x128xf32, #tpu.memory_space<hbm>> -> memref<1x624x128xf32, #tpu.memory_space<hbm>>
      %dma_wait3A_45 = tpu.memref_squeeze %dma_wait3A_44 : memref<1x624x128xf32, #tpu.memory_space<hbm>> -> memref<624x128xf32, #tpu.memory_space<hbm>>
      %dma_wait3A_46 = arith.constant 0 : i32
      %dma_wait3A_47 = tpu.memref_slice %arg11[%mul3A_2, %dma_wait3A_46] : memref<10016x128xf32, #tpu.memory_space<vmem_shared>> -> memref<624x128xf32, #tpu.memory_space<vmem_shared>>
      tpu.wait_dma2 semaphore(%run_scoped3A : memref<!tpu.dma_semaphore, #tpu.memory_space<semaphore_mem>>) src(%dma_wait3A_47 : memref<624x128xf32, #tpu.memory_space<vmem_shared>>) dst(%dma_wait3A_45 : memref<624x128xf32, #tpu.memory_space<hbm>>)
      tpu.yield
    }) : () -> ()
    %eq3A_33 = arith.constant 0 : i32
    %eq3A_34 = arith.cmpi eq, %arg1, %eq3A_33 : i32
    %convert_element_type3A_35 = arith.extui %eq3A_34 : i1 to i32
    %cond3A_36 = arith.constant 0 : i32
    %cond3A_37 = arith.cmpi ne, %convert_element_type3A_35, %cond3A_36 : i32
    scf.if %cond3A_37 {
      "tpu.region"() ({
        %run_scoped3A = tpu.sem_alloc : memref<!tpu.dma_semaphore, #tpu.memory_space<semaphore_mem>>
        %dma_start3A_38 = arith.constant 9984 : i32
        %dma_start3A_39 = arith.constant 0 : i32
        %dma_start3A_40 = tpu.memref_slice %arg5[%arg0, %dma_start3A_38, %dma_start3A_39] : memref<2x10000x128xf32, #tpu.memory_space<hbm>> -> memref<1x16x128xf32, #tpu.memory_space<hbm>>
        %dma_start3A_41 = tpu.memref_squeeze %dma_start3A_40 : memref<1x16x128xf32, #tpu.memory_space<hbm>> -> memref<16x128xf32, #tpu.memory_space<hbm>>
        %dma_start3A_42 = arith.constant 9984 : i32
        %dma_start3A_43 = arith.constant 0 : i32
        %dma_start3A_44 = tpu.memref_slice %arg11[%dma_start3A_42, %dma_start3A_43] : memref<10016x128xf32, #tpu.memory_space<vmem_shared>> -> memref<16x128xf32, #tpu.memory_space<vmem_shared>>
        tpu.enqueue_dma source(%dma_start3A_44 : memref<16x128xf32, #tpu.memory_space<vmem_shared>>) target(%dma_start3A_41 : memref<16x128xf32, #tpu.memory_space<hbm>>) target_semaphore(%run_scoped3A : memref<!tpu.dma_semaphore, #tpu.memory_space<semaphore_mem>>)
        %dma_wait3A_45 = arith.constant 9984 : i32
        %dma_wait3A_46 = arith.constant 0 : i32
        %dma_wait3A_47 = tpu.memref_slice %arg5[%arg0, %dma_wait3A_45, %dma_wait3A_46] : memref<2x10000x128xf32, #tpu.memory_space<hbm>> -> memref<1x16x128xf32, #tpu.memory_space<hbm>>
        %dma_wait3A_48 = tpu.memref_squeeze %dma_wait3A_47 : memref<1x16x128xf32, #tpu.memory_space<hbm>> -> memref<16x128xf32, #tpu.memory_space<hbm>>
        %dma_wait3A_49 = arith.constant 9984 : i32
        %dma_wait3A_50 = arith.constant 0 : i32
        %dma_wait3A_51 = tpu.memref_slice %arg11[%dma_wait3A_49, %dma_wait3A_50] : memref<10016x128xf32, #tpu.memory_space<vmem_shared>> -> memref<16x128xf32, #tpu.memory_space<vmem_shared>>
        tpu.wait_dma2 semaphore(%run_scoped3A : memref<!tpu.dma_semaphore, #tpu.memory_space<semaphore_mem>>) src(%dma_wait3A_51 : memref<16x128xf32, #tpu.memory_space<vmem_shared>>) dst(%dma_wait3A_48 : memref<16x128xf32, #tpu.memory_space<hbm>>)
        tpu.yield
      }) : () -> ()
    } else {
    }
    return
  }
}

#map = affine_map<(d0, d1) -> (0)>
module attributes {stable_mosaic.version = 14 : i64} {
  func.func @deg_kernel(%arg0: i32, %arg1: i32, %arg2: memref<327680xi32, #tpu.memory_space<hbm>>, %arg3: memref<320512xf32, #tpu.memory_space<hbm>>, %arg4: memref<10240xi32, #tpu.memory_space<vmem>>, %arg5: memref<10016xf32, #tpu.memory_space<vmem>>) attributes {dimension_semantics = [#tpu.dimension_semantics<core_parallel>, #tpu.dimension_semantics<subcore_parallel>], iteration_bounds = array<i64: 2, 16>, scalar_prefetch = 0 : i64, scratch_operands = 2 : i64, tpu.core_type = #tpu.core_type<sc_vector_subcore>, window_params = [{transform_indices = #map}, {transform_indices = #map}]} {
    %mul3A = arith.constant 2 : i32
    %mul3A_0 = arith.muli %arg1, %mul3A : i32
    %add3A = arith.addi %mul3A_0, %arg0 : i32
    %mul3A_1 = arith.constant 10240 : i32
    %mul3A_2 = arith.muli %add3A, %mul3A_1 : i32
    "tpu.region"() ({
      %run_scoped3A = tpu.sem_alloc : memref<!tpu.dma_semaphore, #tpu.memory_space<semaphore_mem>>
      %dma_start3A = tpu.memref_slice %arg2[%mul3A_2] : memref<327680xi32, #tpu.memory_space<hbm>> -> memref<10240xi32, #tpu.memory_space<hbm>>
      %dma_start3A_19 = tpu.memref_slice %arg2[%mul3A_2] : memref<327680xi32, #tpu.memory_space<hbm>> -> memref<10240xi32, #tpu.memory_space<hbm>>
      tpu.enqueue_dma source(%dma_start3A_19 : memref<10240xi32, #tpu.memory_space<hbm>>) target(%arg4 : memref<10240xi32, #tpu.memory_space<vmem>>) target_semaphore(%run_scoped3A : memref<!tpu.dma_semaphore, #tpu.memory_space<semaphore_mem>>)
      %dma_wait3A = tpu.memref_slice %arg2[%mul3A_2] : memref<327680xi32, #tpu.memory_space<hbm>> -> memref<10240xi32, #tpu.memory_space<hbm>>
      %dma_wait3A_20 = tpu.memref_slice %arg2[%mul3A_2] : memref<327680xi32, #tpu.memory_space<hbm>> -> memref<10240xi32, #tpu.memory_space<hbm>>
      tpu.wait_dma2 semaphore(%run_scoped3A : memref<!tpu.dma_semaphore, #tpu.memory_space<semaphore_mem>>) src(%dma_wait3A_20 : memref<10240xi32, #tpu.memory_space<hbm>>) dst(%arg4 : memref<10240xi32, #tpu.memory_space<vmem>>)
      tpu.yield
    }) : () -> ()
    %scan3A = arith.constant 0 : i32
    %scan3A_3 = arith.constant 0 : i32
    %scan3A_4 = arith.constant 626 : i32
    %scan3A_5 = arith.addi %scan3A_3, %scan3A_4 : i32
    %scan3A_6 = arith.constant 1 : i32
    %scan3A_7 = scf.for %scan3A_19 = %scan3A_3 to %scan3A_5 step %scan3A_6 iter_args(%scan3A_20 = %scan3A) -> (i32)  : i32 {
      %broadcast_in_dim3A_21 = arith.constant 0.000000e+00 : f32
      %broadcast_in_dim3A_22 = vector.broadcast %broadcast_in_dim3A_21 : f32 to vector<16xf32>
      %mul3A_23 = arith.constant 16 : i32
      %mul3A_24 = arith.muli %scan3A_19, %mul3A_23 : i32
      %swap3A = arith.index_cast %mul3A_24 : i32 to index
      %swap3A_25 = tpu.vector_load %arg5[%swap3A] {strides = array<i32>} : memref<10016xf32, #tpu.memory_space<vmem>>, vector<16xf32>,
      tpu.vector_store %arg5[%swap3A], %broadcast_in_dim3A_22 {strides = array<i32>} : memref<10016xf32, #tpu.memory_space<vmem>>, vector<16xf32>,
      %scan3A_26 = arith.constant 0 : i32
      scf.yield %scan3A_26 : i32
    }
    %scan3A_8 = arith.constant 626 : i32
    %broadcast_in_dim3A = arith.constant 1.000000e+00 : f32
    %broadcast_in_dim3A_9 = vector.broadcast %broadcast_in_dim3A : f32 to vector<16xf32>
    %scan3A_10 = arith.constant 0 : i32
    %scan3A_11 = arith.constant 0 : i32
    %scan3A_12 = arith.constant 640 : i32
    %scan3A_13 = arith.addi %scan3A_11, %scan3A_12 : i32
    %scan3A_14 = arith.constant 1 : i32
    %scan3A_15 = scf.for %scan3A_19 = %scan3A_11 to %scan3A_13 step %scan3A_14 iter_args(%scan3A_20 = %scan3A_10) -> (i32)  : i32 {
      %mul3A_21 = arith.constant 16 : i32
      %mul3A_22 = arith.muli %scan3A_19, %mul3A_21 : i32
      %get3A = arith.index_cast %mul3A_22 : i32 to index
      %get3A_23 = tpu.vector_load %arg4[%get3A] {strides = array<i32>} : memref<10240xi32, #tpu.memory_space<vmem>>, vector<16xi32>,
      tpu.vector_store_idx %arg5[%get3A_23], %broadcast_in_dim3A_9 {add = true} : memref<10016xf32, #tpu.memory_space<vmem>>[vector<16xi32>], vector<16xf32>,
      %scan3A_24 = arith.constant 0 : i32
      scf.yield %scan3A_24 : i32
    }
    %scan3A_16 = arith.constant 640 : i32
    %mul3A_17 = arith.constant 10016 : i32
    %mul3A_18 = arith.muli %add3A, %mul3A_17 : i32
    "tpu.region"() ({
      %run_scoped3A = tpu.sem_alloc : memref<!tpu.dma_semaphore, #tpu.memory_space<semaphore_mem>>
      %dma_start3A = tpu.memref_slice %arg3[%mul3A_18] : memref<320512xf32, #tpu.memory_space<hbm>> -> memref<10016xf32, #tpu.memory_space<hbm>>
      %dma_start3A_19 = tpu.memref_slice %arg3[%mul3A_18] : memref<320512xf32, #tpu.memory_space<hbm>> -> memref<10016xf32, #tpu.memory_space<hbm>>
      tpu.enqueue_dma source(%arg5 : memref<10016xf32, #tpu.memory_space<vmem>>) target(%dma_start3A_19 : memref<10016xf32, #tpu.memory_space<hbm>>) target_semaphore(%run_scoped3A : memref<!tpu.dma_semaphore, #tpu.memory_space<semaphore_mem>>)
      %dma_wait3A = tpu.memref_slice %arg3[%mul3A_18] : memref<320512xf32, #tpu.memory_space<hbm>> -> memref<10016xf32, #tpu.memory_space<hbm>>
      %dma_wait3A_20 = tpu.memref_slice %arg3[%mul3A_18] : memref<320512xf32, #tpu.memory_space<hbm>> -> memref<10016xf32, #tpu.memory_space<hbm>>
      tpu.wait_dma2 semaphore(%run_scoped3A : memref<!tpu.dma_semaphore, #tpu.memory_space<semaphore_mem>>) src(%arg5 : memref<10016xf32, #tpu.memory_space<vmem>>) dst(%dma_wait3A_20 : memref<10016xf32, #tpu.memory_space<hbm>>)
      tpu.yield
    }) : () -> ()
    return
  }
}

#map = affine_map<(d0, d1) -> (0, 0)>
#map1 = affine_map<(d0, d1) -> (0, 0, 0)>
module attributes {stable_mosaic.version = 14 : i64} {
  func.func @agg_kernel(%arg0: i32, %arg1: i32, %arg2: memref<10000x128xf32, #tpu.memory_space<hbm>>, %arg3: memref<32x80x128xi32, #tpu.memory_space<hbm>>, %arg4: memref<32x80x128xi32, #tpu.memory_space<hbm>>, %arg5: memref<2x10000x128xf32, #tpu.memory_space<hbm>>, %arg6: memref<80x128xi32, #tpu.memory_space<vmem>>, %arg7: memref<128xi32, #tpu.memory_space<vmem>>, %arg8: memref<128xi32, #tpu.memory_space<vmem>>, %arg9: memref<128x128xf32, #tpu.memory_space<vmem>>, %arg10: memref<128x128xf32, #tpu.memory_space<vmem>>, %arg11: memref<10016x128xf32, #tpu.memory_space<vmem_shared>>, %arg12: memref<!tpu.dma_semaphore, #tpu.memory_space<semaphore_mem>>, %arg13: memref<!tpu.dma_semaphore, #tpu.memory_space<semaphore_mem>>, %arg14: memref<!tpu.dma_semaphore, #tpu.memory_space<semaphore_mem>>, %arg15: memref<!tpu.dma_semaphore, #tpu.memory_space<semaphore_mem>>) attributes {dimension_semantics = [#tpu.dimension_semantics<core_parallel>, #tpu.dimension_semantics<subcore_parallel>], iteration_bounds = array<i64: 2, 16>, scalar_prefetch = 0 : i64, scratch_operands = 10 : i64, tpu.core_type = #tpu.core_type<sc_vector_subcore>, window_params = [{transform_indices = #map}, {transform_indices = #map1}, {transform_indices = #map1}, {transform_indices = #map1}]} {
    %mul3A = arith.constant 2 : i32
    %mul3A_0 = arith.muli %arg1, %mul3A : i32
    %add3A = arith.addi %mul3A_0, %arg0 : i32
    "tpu.region"() ({
      %run_scoped3A = tpu.sem_alloc : memref<!tpu.dma_semaphore, #tpu.memory_space<semaphore_mem>>
      %dma_start3A_38 = arith.constant 0 : i32
      %dma_start3A_39 = arith.constant 0 : i32
      %dma_start3A_40 = tpu.memref_slice %arg4[%add3A, %dma_start3A_38, %dma_start3A_39] : memref<32x80x128xi32, #tpu.memory_space<hbm>> -> memref<1x80x128xi32, #tpu.memory_space<hbm>>
      %dma_start3A_41 = tpu.memref_squeeze %dma_start3A_40 : memref<1x80x128xi32, #tpu.memory_space<hbm>> -> memref<80x128xi32, #tpu.memory_space<hbm>>
      %dma_start3A_42 = arith.constant 0 : i32
      %dma_start3A_43 = arith.constant 0 : i32
      %dma_start3A_44 = tpu.memref_slice %arg4[%add3A, %dma_start3A_42, %dma_start3A_43] : memref<32x80x128xi32, #tpu.memory_space<hbm>> -> memref<1x80x128xi32, #tpu.memory_space<hbm>>
      %dma_start3A_45 = tpu.memref_squeeze %dma_start3A_44 : memref<1x80x128xi32, #tpu.memory_space<hbm>> -> memref<80x128xi32, #tpu.memory_space<hbm>>
      tpu.enqueue_dma source(%dma_start3A_45 : memref<80x128xi32, #tpu.memory_space<hbm>>) target(%arg6 : memref<80x128xi32, #tpu.memory_space<vmem>>) target_semaphore(%run_scoped3A : memref<!tpu.dma_semaphore, #tpu.memory_space<semaphore_mem>>)
      %dma_wait3A_46 = arith.constant 0 : i32
      %dma_wait3A_47 = arith.constant 0 : i32
      %dma_wait3A_48 = tpu.memref_slice %arg4[%add3A, %dma_wait3A_46, %dma_wait3A_47] : memref<32x80x128xi32, #tpu.memory_space<hbm>> -> memref<1x80x128xi32, #tpu.memory_space<hbm>>
      %dma_wait3A_49 = tpu.memref_squeeze %dma_wait3A_48 : memref<1x80x128xi32, #tpu.memory_space<hbm>> -> memref<80x128xi32, #tpu.memory_space<hbm>>
      %dma_wait3A_50 = arith.constant 0 : i32
      %dma_wait3A_51 = arith.constant 0 : i32
      %dma_wait3A_52 = tpu.memref_slice %arg4[%add3A, %dma_wait3A_50, %dma_wait3A_51] : memref<32x80x128xi32, #tpu.memory_space<hbm>> -> memref<1x80x128xi32, #tpu.memory_space<hbm>>
      %dma_wait3A_53 = tpu.memref_squeeze %dma_wait3A_52 : memref<1x80x128xi32, #tpu.memory_space<hbm>> -> memref<80x128xi32, #tpu.memory_space<hbm>>
      tpu.wait_dma2 semaphore(%run_scoped3A : memref<!tpu.dma_semaphore, #tpu.memory_space<semaphore_mem>>) src(%dma_wait3A_53 : memref<80x128xi32, #tpu.memory_space<hbm>>) dst(%arg6 : memref<80x128xi32, #tpu.memory_space<vmem>>)
      tpu.yield
    }) : () -> ()
    %mul3A_1 = arith.constant 624 : i32
    %mul3A_2 = arith.muli %arg1, %mul3A_1 : i32
    "tpu.region"() ({
      %run_scoped3A = tpu.sem_alloc : memref<!tpu.dma_semaphore, #tpu.memory_space<semaphore_mem>>
      %dma_start3A_38 = arith.constant 0 : i32
      %dma_start3A_39 = tpu.memref_slice %arg11[%mul3A_2, %dma_start3A_38] : memref<10016x128xf32, #tpu.memory_space<vmem_shared>> -> memref<624x128xf32, #tpu.memory_space<vmem_shared>>
      %dma_start3A_40 = arith.constant 0 : i32
      %dma_start3A_41 = tpu.memref_slice %arg2[%mul3A_2, %dma_start3A_40] : memref<10000x128xf32, #tpu.memory_space<hbm>> -> memref<624x128xf32, #tpu.memory_space<hbm>>
      tpu.enqueue_dma source(%dma_start3A_41 : memref<624x128xf32, #tpu.memory_space<hbm>>) target(%dma_start3A_39 : memref<624x128xf32, #tpu.memory_space<vmem_shared>>) target_semaphore(%run_scoped3A : memref<!tpu.dma_semaphore, #tpu.memory_space<semaphore_mem>>)
      %dma_wait3A_42 = arith.constant 0 : i32
      %dma_wait3A_43 = tpu.memref_slice %arg11[%mul3A_2, %dma_wait3A_42] : memref<10016x128xf32, #tpu.memory_space<vmem_shared>> -> memref<624x128xf32, #tpu.memory_space<vmem_shared>>
      %dma_wait3A_44 = arith.constant 0 : i32
      %dma_wait3A_45 = tpu.memref_slice %arg2[%mul3A_2, %dma_wait3A_44] : memref<10000x128xf32, #tpu.memory_space<hbm>> -> memref<624x128xf32, #tpu.memory_space<hbm>>
      tpu.wait_dma2 semaphore(%run_scoped3A : memref<!tpu.dma_semaphore, #tpu.memory_space<semaphore_mem>>) src(%dma_wait3A_45 : memref<624x128xf32, #tpu.memory_space<hbm>>) dst(%dma_wait3A_43 : memref<624x128xf32, #tpu.memory_space<vmem_shared>>)
      tpu.yield
    }) : () -> ()
    %eq3A = arith.constant 0 : i32
    %eq3A_3 = arith.cmpi eq, %arg1, %eq3A : i32
    %convert_element_type3A = arith.extui %eq3A_3 : i1 to i32
    %cond3A = arith.constant 0 : i32
    %cond3A_4 = arith.cmpi ne, %convert_element_type3A, %cond3A : i32
    scf.if %cond3A_4 {
      "tpu.region"() ({
        %run_scoped3A = tpu.sem_alloc : memref<!tpu.dma_semaphore, #tpu.memory_space<semaphore_mem>>
        %dma_start3A_38 = arith.constant 9984 : i32
        %dma_start3A_39 = arith.constant 0 : i32
        %dma_start3A_40 = tpu.memref_slice %arg11[%dma_start3A_38, %dma_start3A_39] : memref<10016x128xf32, #tpu.memory_space<vmem_shared>> -> memref<16x128xf32, #tpu.memory_space<vmem_shared>>
        %dma_start3A_41 = arith.constant 9984 : i32
        %dma_start3A_42 = arith.constant 0 : i32
        %dma_start3A_43 = tpu.memref_slice %arg2[%dma_start3A_41, %dma_start3A_42] : memref<10000x128xf32, #tpu.memory_space<hbm>> -> memref<16x128xf32, #tpu.memory_space<hbm>>
        tpu.enqueue_dma source(%dma_start3A_43 : memref<16x128xf32, #tpu.memory_space<hbm>>) target(%dma_start3A_40 : memref<16x128xf32, #tpu.memory_space<vmem_shared>>) target_semaphore(%run_scoped3A : memref<!tpu.dma_semaphore, #tpu.memory_space<semaphore_mem>>)
        %dma_wait3A_44 = arith.constant 9984 : i32
        %dma_wait3A_45 = arith.constant 0 : i32
        %dma_wait3A_46 = tpu.memref_slice %arg11[%dma_wait3A_44, %dma_wait3A_45] : memref<10016x128xf32, #tpu.memory_space<vmem_shared>> -> memref<16x128xf32, #tpu.memory_space<vmem_shared>>
        %dma_wait3A_47 = arith.constant 9984 : i32
        %dma_wait3A_48 = arith.constant 0 : i32
        %dma_wait3A_49 = tpu.memref_slice %arg2[%dma_wait3A_47, %dma_wait3A_48] : memref<10000x128xf32, #tpu.memory_space<hbm>> -> memref<16x128xf32, #tpu.memory_space<hbm>>
        tpu.wait_dma2 semaphore(%run_scoped3A : memref<!tpu.dma_semaphore, #tpu.memory_space<semaphore_mem>>) src(%dma_wait3A_49 : memref<16x128xf32, #tpu.memory_space<hbm>>) dst(%dma_wait3A_46 : memref<16x128xf32, #tpu.memory_space<vmem_shared>>)
        tpu.yield
      }) : () -> ()
    } else {
    }
    %barrier3A = arith.constant 0 : index
    tpu.barrier barrier_id(%barrier3A)
    %dma_start3A = arith.constant 0 : i32
    %dma_start3A_5 = arith.constant 0 : i32
    %dma_start3A_6 = tpu.memref_slice %arg3[%add3A, %dma_start3A, %dma_start3A_5] : memref<32x80x128xi32, #tpu.memory_space<hbm>> -> memref<1x1x128xi32, #tpu.memory_space<hbm>>
    %dma_start3A_7 = tpu.memref_squeeze %dma_start3A_6 : memref<1x1x128xi32, #tpu.memory_space<hbm>> -> memref<128xi32, #tpu.memory_space<hbm>>
    %dma_start3A_8 = arith.constant 0 : i32
    %dma_start3A_9 = tpu.memref_slice %arg3[%add3A, %dma_start3A, %dma_start3A_8] : memref<32x80x128xi32, #tpu.memory_space<hbm>> -> memref<1x1x128xi32, #tpu.memory_space<hbm>>
    %dma_start3A_10 = tpu.memref_squeeze %dma_start3A_9 : memref<1x1x128xi32, #tpu.memory_space<hbm>> -> memref<128xi32, #tpu.memory_space<hbm>>
    tpu.enqueue_dma source(%dma_start3A_10 : memref<128xi32, #tpu.memory_space<hbm>>) target(%arg7 : memref<128xi32, #tpu.memory_space<vmem>>) target_semaphore(%arg12 : memref<!tpu.dma_semaphore, #tpu.memory_space<semaphore_mem>>)
    %dma_wait3A = arith.constant 0 : i32
    %dma_wait3A_11 = arith.constant 0 : i32
    %dma_wait3A_12 = tpu.memref_slice %arg3[%add3A, %dma_wait3A, %dma_wait3A_11] : memref<32x80x128xi32, #tpu.memory_space<hbm>> -> memref<1x1x128xi32, #tpu.memory_space<hbm>>
    %dma_wait3A_13 = tpu.memref_squeeze %dma_wait3A_12 : memref<1x1x128xi32, #tpu.memory_space<hbm>> -> memref<128xi32, #tpu.memory_space<hbm>>
    %dma_wait3A_14 = arith.constant 0 : i32
    %dma_wait3A_15 = tpu.memref_slice %arg3[%add3A, %dma_wait3A, %dma_wait3A_14] : memref<32x80x128xi32, #tpu.memory_space<hbm>> -> memref<1x1x128xi32, #tpu.memory_space<hbm>>
    %dma_wait3A_16 = tpu.memref_squeeze %dma_wait3A_15 : memref<1x1x128xi32, #tpu.memory_space<hbm>> -> memref<128xi32, #tpu.memory_space<hbm>>
    tpu.wait_dma2 semaphore(%arg12 : memref<!tpu.dma_semaphore, #tpu.memory_space<semaphore_mem>>) src(%dma_wait3A_16 : memref<128xi32, #tpu.memory_space<hbm>>) dst(%arg7 : memref<128xi32, #tpu.memory_space<vmem>>)
    %dma_start3A_17 = arith.constant 0 : i32
    %dma_start3A_18 = arith.constant 0 : i32
    %dma_start3A_19 = tpu.memref_slice %arg2[%dma_start3A_17, %dma_start3A_18] : memref<10000x128xf32, #tpu.memory_space<hbm>> -> memref<10000x128xf32, #tpu.memory_space<hbm>>
    tpu.enqueue_indirect_dma source(%dma_start3A_19 : memref<10000x128xf32, #tpu.memory_space<hbm>>) target(%arg9 : memref<128x128xf32, #tpu.memory_space<vmem>>) offsets(%arg7 : memref<128xi32, #tpu.memory_space<vmem>>) semaphore(%arg14 : memref<!tpu.dma_semaphore, #tpu.memory_space<semaphore_mem>>)
    %dma_start3A_20 = arith.constant 1 : i32
    %dma_start3A_21 = arith.constant 0 : i32
    %dma_start3A_22 = tpu.memref_slice %arg3[%add3A, %dma_start3A_20, %dma_start3A_21] : memref<32x80x128xi32, #tpu.memory_space<hbm>> -> memref<1x1x128xi32, #tpu.memory_space<hbm>>
    %dma_start3A_23 = tpu.memref_squeeze %dma_start3A_22 : memref<1x1x128xi32, #tpu.memory_space<hbm>> -> memref<128xi32, #tpu.memory_space<hbm>>
    %dma_start3A_24 = arith.constant 0 : i32
    %dma_start3A_25 = tpu.memref_slice %arg3[%add3A, %dma_start3A_20, %dma_start3A_24] : memref<32x80x128xi32, #tpu.memory_space<hbm>> -> memref<1x1x128xi32, #tpu.memory_space<hbm>>
    %dma_start3A_26 = tpu.memref_squeeze %dma_start3A_25 : memref<1x1x128xi32, #tpu.memory_space<hbm>> -> memref<128xi32, #tpu.memory_space<hbm>>
    tpu.enqueue_dma source(%dma_start3A_26 : memref<128xi32, #tpu.memory_space<hbm>>) target(%arg8 : memref<128xi32, #tpu.memory_space<vmem>>) target_semaphore(%arg13 : memref<!tpu.dma_semaphore, #tpu.memory_space<semaphore_mem>>)
    %scan3A = arith.constant 0 : i32
    %scan3A_27 = arith.constant 0 : i32
    %scan3A_28 = arith.constant 40 : i32
    %scan3A_29 = arith.addi %scan3A_27, %scan3A_28 : i32
    %scan3A_30 = arith.constant 1 : i32
    scf.for %scan3A_38 = %scan3A_27 to %scan3A_29 step %scan3A_30  : i32 {
      %mul3A_39 = arith.constant 2 : i32
      %mul3A_40 = arith.muli %scan3A_38, %mul3A_39 : i32
      %dma_wait3A_41 = arith.constant 0 : i32
      %dma_wait3A_42 = arith.constant 0 : i32
      %dma_wait3A_43 = tpu.memref_slice %arg2[%dma_wait3A_41, %dma_wait3A_42] : memref<10000x128xf32, #tpu.memory_space<hbm>> -> memref<10000x128xf32, #tpu.memory_space<hbm>>
      tpu.wait_indirect_dma semaphore(%arg14 : memref<!tpu.dma_semaphore, #tpu.memory_space<semaphore_mem>>) src(%dma_wait3A_43 : memref<10000x128xf32, #tpu.memory_space<hbm>>) dst(%arg9 : memref<128x128xf32, #tpu.memory_space<vmem>>)
      %add3A_44 = arith.constant 2 : i32
      %add3A_45 = arith.addi %mul3A_40, %add3A_44 : i32
      %lt3A = arith.constant 80 : i32
      %lt3A_46 = arith.cmpi slt, %add3A_45, %lt3A : i32
      %convert_element_type3A_47 = arith.extui %lt3A_46 : i1 to i32
      %cond3A_48 = arith.constant 0 : i32
      %cond3A_49 = arith.cmpi ne, %convert_element_type3A_47, %cond3A_48 : i32
      scf.if %cond3A_49 {
        %add3A_78 = arith.constant 2 : i32
        %add3A_79 = arith.addi %mul3A_40, %add3A_78 : i32
        %dma_start3A_80 = arith.constant 0 : i32
        %dma_start3A_81 = tpu.memref_slice %arg3[%add3A, %add3A_79, %dma_start3A_80] : memref<32x80x128xi32, #tpu.memory_space<hbm>> -> memref<1x1x128xi32, #tpu.memory_space<hbm>>
        %dma_start3A_82 = tpu.memref_squeeze %dma_start3A_81 : memref<1x1x128xi32, #tpu.memory_space<hbm>> -> memref<128xi32, #tpu.memory_space<hbm>>
        %dma_start3A_83 = arith.constant 0 : i32
        %dma_start3A_84 = tpu.memref_slice %arg3[%add3A, %add3A_79, %dma_start3A_83] : memref<32x80x128xi32, #tpu.memory_space<hbm>> -> memref<1x1x128xi32, #tpu.memory_space<hbm>>
        %dma_start3A_85 = tpu.memref_squeeze %dma_start3A_84 : memref<1x1x128xi32, #tpu.memory_space<hbm>> -> memref<128xi32, #tpu.memory_space<hbm>>
        tpu.enqueue_dma source(%dma_start3A_85 : memref<128xi32, #tpu.memory_space<hbm>>) target(%arg7 : memref<128xi32, #tpu.memory_space<vmem>>) target_semaphore(%arg12 : memref<!tpu.dma_semaphore, #tpu.memory_space<semaphore_mem>>)
      } else {
      }
      %add3A_50 = arith.constant 1 : i32
      %add3A_51 = arith.addi %mul3A_40, %add3A_50 : i32
      %lt3A_52 = arith.constant 80 : i32
      %lt3A_53 = arith.cmpi slt, %add3A_51, %lt3A_52 : i32
      %convert_element_type3A_54 = arith.extui %lt3A_53 : i1 to i32
      %cond3A_55 = arith.constant 0 : i32
      %cond3A_56 = arith.cmpi ne, %convert_element_type3A_54, %cond3A_55 : i32
      scf.if %cond3A_56 {
        %add3A_78 = arith.constant 1 : i32
        %add3A_79 = arith.addi %mul3A_40, %add3A_78 : i32
        %dma_wait3A_80 = arith.constant 0 : i32
        %dma_wait3A_81 = tpu.memref_slice %arg3[%add3A, %add3A_79, %dma_wait3A_80] : memref<32x80x128xi32, #tpu.memory_space<hbm>> -> memref<1x1x128xi32, #tpu.memory_space<hbm>>
        %dma_wait3A_82 = tpu.memref_squeeze %dma_wait3A_81 : memref<1x1x128xi32, #tpu.memory_space<hbm>> -> memref<128xi32, #tpu.memory_space<hbm>>
        %dma_wait3A_83 = arith.constant 0 : i32
        %dma_wait3A_84 = tpu.memref_slice %arg3[%add3A, %add3A_79, %dma_wait3A_83] : memref<32x80x128xi32, #tpu.memory_space<hbm>> -> memref<1x1x128xi32, #tpu.memory_space<hbm>>
        %dma_wait3A_85 = tpu.memref_squeeze %dma_wait3A_84 : memref<1x1x128xi32, #tpu.memory_space<hbm>> -> memref<128xi32, #tpu.memory_space<hbm>>
        tpu.wait_dma2 semaphore(%arg13 : memref<!tpu.dma_semaphore, #tpu.memory_space<semaphore_mem>>) src(%dma_wait3A_85 : memref<128xi32, #tpu.memory_space<hbm>>) dst(%arg8 : memref<128xi32, #tpu.memory_space<vmem>>)
        %dma_start3A_86 = arith.constant 0 : i32
        %dma_start3A_87 = arith.constant 0 : i32
        %dma_start3A_88 = tpu.memref_slice %arg2[%dma_start3A_86, %dma_start3A_87] : memref<10000x128xf32, #tpu.memory_space<hbm>> -> memref<10000x128xf32, #tpu.memory_space<hbm>>
        tpu.enqueue_indirect_dma source(%dma_start3A_88 : memref<10000x128xf32, #tpu.memory_space<hbm>>) target(%arg10 : memref<128x128xf32, #tpu.memory_space<vmem>>) offsets(%arg8 : memref<128xi32, #tpu.memory_space<vmem>>) semaphore(%arg15 : memref<!tpu.dma_semaphore, #tpu.memory_space<semaphore_mem>>)
      } else {
      }
      "tpu.region"() ({
        %run_scoped3A = tpu.sem_alloc : memref<!tpu.dma_semaphore, #tpu.memory_space<semaphore_mem>>
        %dma_start3A_78 = arith.constant 0 : i32
        %dma_start3A_79 = tpu.memref_slice %arg6[%mul3A_40, %dma_start3A_78] : memref<80x128xi32, #tpu.memory_space<vmem>> -> memref<1x128xi32, #tpu.memory_space<vmem>>
        %dma_start3A_80 = tpu.memref_squeeze %dma_start3A_79 : memref<1x128xi32, #tpu.memory_space<vmem>> -> memref<128xi32, #tpu.memory_space<vmem>>
        %dma_start3A_81 = arith.constant 0 : i32
        %dma_start3A_82 = arith.constant 0 : i32
        %dma_start3A_83 = tpu.memref_slice %arg11[%dma_start3A_81, %dma_start3A_82] : memref<10016x128xf32, #tpu.memory_space<vmem_shared>> -> memref<10016x128xf32, #tpu.memory_space<vmem_shared>>
        tpu.enqueue_indirect_dma source(%arg9 : memref<128x128xf32, #tpu.memory_space<vmem>>) target(%dma_start3A_83 : memref<10016x128xf32, #tpu.memory_space<vmem_shared>>) offsets(%dma_start3A_80 : memref<128xi32, #tpu.memory_space<vmem>>) semaphore(%run_scoped3A : memref<!tpu.dma_semaphore, #tpu.memory_space<semaphore_mem>>) {add = true}
        %dma_wait3A_84 = arith.constant 0 : i32
        %dma_wait3A_85 = tpu.memref_slice %arg6[%mul3A_40, %dma_wait3A_84] : memref<80x128xi32, #tpu.memory_space<vmem>> -> memref<1x128xi32, #tpu.memory_space<vmem>>
        %dma_wait3A_86 = tpu.memref_squeeze %dma_wait3A_85 : memref<1x128xi32, #tpu.memory_space<vmem>> -> memref<128xi32, #tpu.memory_space<vmem>>
        %dma_wait3A_87 = arith.constant 0 : i32
        %dma_wait3A_88 = arith.constant 0 : i32
        %dma_wait3A_89 = tpu.memref_slice %arg11[%dma_wait3A_87, %dma_wait3A_88] : memref<10016x128xf32, #tpu.memory_space<vmem_shared>> -> memref<10016x128xf32, #tpu.memory_space<vmem_shared>>
        tpu.wait_indirect_dma semaphore(%run_scoped3A : memref<!tpu.dma_semaphore, #tpu.memory_space<semaphore_mem>>) src(%arg9 : memref<128x128xf32, #tpu.memory_space<vmem>>) dst(%dma_wait3A_89 : memref<10016x128xf32, #tpu.memory_space<vmem_shared>>)
        tpu.yield
      }) : () -> ()
      %mul3A_57 = arith.constant 2 : i32
      %mul3A_58 = arith.muli %scan3A_38, %mul3A_57 : i32
      %add3A_59 = arith.constant 1 : i32
      %add3A_60 = arith.addi %mul3A_58, %add3A_59 : i32
      %dma_wait3A_61 = arith.constant 0 : i32
      %dma_wait3A_62 = arith.constant 0 : i32
      %dma_wait3A_63 = tpu.memref_slice %arg2[%dma_wait3A_61, %dma_wait3A_62] : memref<10000x128xf32, #tpu.memory_space<hbm>> -> memref<10000x128xf32, #tpu.memory_space<hbm>>
      tpu.wait_indirect_dma semaphore(%arg15 : memref<!tpu.dma_semaphore, #tpu.memory_space<semaphore_mem>>) src(%dma_wait3A_63 : memref<10000x128xf32, #tpu.memory_space<hbm>>) dst(%arg10 : memref<128x128xf32, #tpu.memory_space<vmem>>)
      %add3A_64 = arith.constant 2 : i32
      %add3A_65 = arith.addi %add3A_60, %add3A_64 : i32
      %lt3A_66 = arith.constant 80 : i32
      %lt3A_67 = arith.cmpi slt, %add3A_65, %lt3A_66 : i32
      %convert_element_type3A_68 = arith.extui %lt3A_67 : i1 to i32
      %cond3A_69 = arith.constant 0 : i32
      %cond3A_70 = arith.cmpi ne, %convert_element_type3A_68, %cond3A_69 : i32
      scf.if %cond3A_70 {
        %add3A_78 = arith.constant 2 : i32
        %add3A_79 = arith.addi %add3A_60, %add3A_78 : i32
        %dma_start3A_80 = arith.constant 0 : i32
        %dma_start3A_81 = tpu.memref_slice %arg3[%add3A, %add3A_79, %dma_start3A_80] : memref<32x80x128xi32, #tpu.memory_space<hbm>> -> memref<1x1x128xi32, #tpu.memory_space<hbm>>
        %dma_start3A_82 = tpu.memref_squeeze %dma_start3A_81 : memref<1x1x128xi32, #tpu.memory_space<hbm>> -> memref<128xi32, #tpu.memory_space<hbm>>
        %dma_start3A_83 = arith.constant 0 : i32
        %dma_start3A_84 = tpu.memref_slice %arg3[%add3A, %add3A_79, %dma_start3A_83] : memref<32x80x128xi32, #tpu.memory_space<hbm>> -> memref<1x1x128xi32, #tpu.memory_space<hbm>>
        %dma_start3A_85 = tpu.memref_squeeze %dma_start3A_84 : memref<1x1x128xi32, #tpu.memory_space<hbm>> -> memref<128xi32, #tpu.memory_space<hbm>>
        tpu.enqueue_dma source(%dma_start3A_85 : memref<128xi32, #tpu.memory_space<hbm>>) target(%arg8 : memref<128xi32, #tpu.memory_space<vmem>>) target_semaphore(%arg13 : memref<!tpu.dma_semaphore, #tpu.memory_space<semaphore_mem>>)
      } else {
      }
      %add3A_71 = arith.constant 1 : i32
      %add3A_72 = arith.addi %add3A_60, %add3A_71 : i32
      %lt3A_73 = arith.constant 80 : i32
      %lt3A_74 = arith.cmpi slt, %add3A_72, %lt3A_73 : i32
      %convert_element_type3A_75 = arith.extui %lt3A_74 : i1 to i32
      %cond3A_76 = arith.constant 0 : i32
      %cond3A_77 = arith.cmpi ne, %convert_element_type3A_75, %cond3A_76 : i32
      scf.if %cond3A_77 {
        %add3A_78 = arith.constant 1 : i32
        %add3A_79 = arith.addi %add3A_60, %add3A_78 : i32
        %dma_wait3A_80 = arith.constant 0 : i32
        %dma_wait3A_81 = tpu.memref_slice %arg3[%add3A, %add3A_79, %dma_wait3A_80] : memref<32x80x128xi32, #tpu.memory_space<hbm>> -> memref<1x1x128xi32, #tpu.memory_space<hbm>>
        %dma_wait3A_82 = tpu.memref_squeeze %dma_wait3A_81 : memref<1x1x128xi32, #tpu.memory_space<hbm>> -> memref<128xi32, #tpu.memory_space<hbm>>
        %dma_wait3A_83 = arith.constant 0 : i32
        %dma_wait3A_84 = tpu.memref_slice %arg3[%add3A, %add3A_79, %dma_wait3A_83] : memref<32x80x128xi32, #tpu.memory_space<hbm>> -> memref<1x1x128xi32, #tpu.memory_space<hbm>>
        %dma_wait3A_85 = tpu.memref_squeeze %dma_wait3A_84 : memref<1x1x128xi32, #tpu.memory_space<hbm>> -> memref<128xi32, #tpu.memory_space<hbm>>
        tpu.wait_dma2 semaphore(%arg12 : memref<!tpu.dma_semaphore, #tpu.memory_space<semaphore_mem>>) src(%dma_wait3A_85 : memref<128xi32, #tpu.memory_space<hbm>>) dst(%arg7 : memref<128xi32, #tpu.memory_space<vmem>>)
        %dma_start3A_86 = arith.constant 0 : i32
        %dma_start3A_87 = arith.constant 0 : i32
        %dma_start3A_88 = tpu.memref_slice %arg2[%dma_start3A_86, %dma_start3A_87] : memref<10000x128xf32, #tpu.memory_space<hbm>> -> memref<10000x128xf32, #tpu.memory_space<hbm>>
        tpu.enqueue_indirect_dma source(%dma_start3A_88 : memref<10000x128xf32, #tpu.memory_space<hbm>>) target(%arg9 : memref<128x128xf32, #tpu.memory_space<vmem>>) offsets(%arg7 : memref<128xi32, #tpu.memory_space<vmem>>) semaphore(%arg14 : memref<!tpu.dma_semaphore, #tpu.memory_space<semaphore_mem>>)
      } else {
      }
      "tpu.region"() ({
        %run_scoped3A = tpu.sem_alloc : memref<!tpu.dma_semaphore, #tpu.memory_space<semaphore_mem>>
        %dma_start3A_78 = arith.constant 0 : i32
        %dma_start3A_79 = tpu.memref_slice %arg6[%add3A_60, %dma_start3A_78] : memref<80x128xi32, #tpu.memory_space<vmem>> -> memref<1x128xi32, #tpu.memory_space<vmem>>
        %dma_start3A_80 = tpu.memref_squeeze %dma_start3A_79 : memref<1x128xi32, #tpu.memory_space<vmem>> -> memref<128xi32, #tpu.memory_space<vmem>>
        %dma_start3A_81 = arith.constant 0 : i32
        %dma_start3A_82 = arith.constant 0 : i32
        %dma_start3A_83 = tpu.memref_slice %arg11[%dma_start3A_81, %dma_start3A_82] : memref<10016x128xf32, #tpu.memory_space<vmem_shared>> -> memref<10016x128xf32, #tpu.memory_space<vmem_shared>>
        tpu.enqueue_indirect_dma source(%arg10 : memref<128x128xf32, #tpu.memory_space<vmem>>) target(%dma_start3A_83 : memref<10016x128xf32, #tpu.memory_space<vmem_shared>>) offsets(%dma_start3A_80 : memref<128xi32, #tpu.memory_space<vmem>>) semaphore(%run_scoped3A : memref<!tpu.dma_semaphore, #tpu.memory_space<semaphore_mem>>) {add = true}
        %dma_wait3A_84 = arith.constant 0 : i32
        %dma_wait3A_85 = tpu.memref_slice %arg6[%add3A_60, %dma_wait3A_84] : memref<80x128xi32, #tpu.memory_space<vmem>> -> memref<1x128xi32, #tpu.memory_space<vmem>>
        %dma_wait3A_86 = tpu.memref_squeeze %dma_wait3A_85 : memref<1x128xi32, #tpu.memory_space<vmem>> -> memref<128xi32, #tpu.memory_space<vmem>>
        %dma_wait3A_87 = arith.constant 0 : i32
        %dma_wait3A_88 = arith.constant 0 : i32
        %dma_wait3A_89 = tpu.memref_slice %arg11[%dma_wait3A_87, %dma_wait3A_88] : memref<10016x128xf32, #tpu.memory_space<vmem_shared>> -> memref<10016x128xf32, #tpu.memory_space<vmem_shared>>
        tpu.wait_indirect_dma semaphore(%run_scoped3A : memref<!tpu.dma_semaphore, #tpu.memory_space<semaphore_mem>>) src(%arg10 : memref<128x128xf32, #tpu.memory_space<vmem>>) dst(%dma_wait3A_89 : memref<10016x128xf32, #tpu.memory_space<vmem_shared>>)
        tpu.yield
      }) : () -> ()
    }
    %scan3A_31 = arith.constant 40 : i32
    %barrier3A_32 = arith.constant 0 : index
    tpu.barrier barrier_id(%barrier3A_32)
    "tpu.region"() ({
      %run_scoped3A = tpu.sem_alloc : memref<!tpu.dma_semaphore, #tpu.memory_space<semaphore_mem>>
      %dma_start3A_38 = arith.constant 0 : i32
      %dma_start3A_39 = tpu.memref_slice %arg5[%arg0, %mul3A_2, %dma_start3A_38] : memref<2x10000x128xf32, #tpu.memory_space<hbm>> -> memref<1x624x128xf32, #tpu.memory_space<hbm>>
      %dma_start3A_40 = tpu.memref_squeeze %dma_start3A_39 : memref<1x624x128xf32, #tpu.memory_space<hbm>> -> memref<624x128xf32, #tpu.memory_space<hbm>>
      %dma_start3A_41 = arith.constant 0 : i32
      %dma_start3A_42 = tpu.memref_slice %arg11[%mul3A_2, %dma_start3A_41] : memref<10016x128xf32, #tpu.memory_space<vmem_shared>> -> memref<624x128xf32, #tpu.memory_space<vmem_shared>>
      tpu.enqueue_dma source(%dma_start3A_42 : memref<624x128xf32, #tpu.memory_space<vmem_shared>>) target(%dma_start3A_40 : memref<624x128xf32, #tpu.memory_space<hbm>>) target_semaphore(%run_scoped3A : memref<!tpu.dma_semaphore, #tpu.memory_space<semaphore_mem>>)
      %dma_wait3A_43 = arith.constant 0 : i32
      %dma_wait3A_44 = tpu.memref_slice %arg5[%arg0, %mul3A_2, %dma_wait3A_43] : memref<2x10000x128xf32, #tpu.memory_space<hbm>> -> memref<1x624x128xf32, #tpu.memory_space<hbm>>
      %dma_wait3A_45 = tpu.memref_squeeze %dma_wait3A_44 : memref<1x624x128xf32, #tpu.memory_space<hbm>> -> memref<624x128xf32, #tpu.memory_space<hbm>>
      %dma_wait3A_46 = arith.constant 0 : i32
      %dma_wait3A_47 = tpu.memref_slice %arg11[%mul3A_2, %dma_wait3A_46] : memref<10016x128xf32, #tpu.memory_space<vmem_shared>> -> memref<624x128xf32, #tpu.memory_space<vmem_shared>>
      tpu.wait_dma2 semaphore(%run_scoped3A : memref<!tpu.dma_semaphore, #tpu.memory_space<semaphore_mem>>) src(%dma_wait3A_47 : memref<624x128xf32, #tpu.memory_space<vmem_shared>>) dst(%dma_wait3A_45 : memref<624x128xf32, #tpu.memory_space<hbm>>)
      tpu.yield
    }) : () -> ()
    %eq3A_33 = arith.constant 0 : i32
    %eq3A_34 = arith.cmpi eq, %arg1, %eq3A_33 : i32
    %convert_element_type3A_35 = arith.extui %eq3A_34 : i1 to i32
    %cond3A_36 = arith.constant 0 : i32
    %cond3A_37 = arith.cmpi ne, %convert_element_type3A_35, %cond3A_36 : i32
    scf.if %cond3A_37 {
      "tpu.region"() ({
        %run_scoped3A = tpu.sem_alloc : memref<!tpu.dma_semaphore, #tpu.memory_space<semaphore_mem>>
        %dma_start3A_38 = arith.constant 9984 : i32
        %dma_start3A_39 = arith.constant 0 : i32
        %dma_start3A_40 = tpu.memref_slice %arg5[%arg0, %dma_start3A_38, %dma_start3A_39] : memref<2x10000x128xf32, #tpu.memory_space<hbm>> -> memref<1x16x128xf32, #tpu.memory_space<hbm>>
        %dma_start3A_41 = tpu.memref_squeeze %dma_start3A_40 : memref<1x16x128xf32, #tpu.memory_space<hbm>> -> memref<16x128xf32, #tpu.memory_space<hbm>>
        %dma_start3A_42 = arith.constant 9984 : i32
        %dma_start3A_43 = arith.constant 0 : i32
        %dma_start3A_44 = tpu.memref_slice %arg11[%dma_start3A_42, %dma_start3A_43] : memref<10016x128xf32, #tpu.memory_space<vmem_shared>> -> memref<16x128xf32, #tpu.memory_space<vmem_shared>>
        tpu.enqueue_dma source(%dma_start3A_44 : memref<16x128xf32, #tpu.memory_space<vmem_shared>>) target(%dma_start3A_41 : memref<16x128xf32, #tpu.memory_space<hbm>>) target_semaphore(%run_scoped3A : memref<!tpu.dma_semaphore, #tpu.memory_space<semaphore_mem>>)
        %dma_wait3A_45 = arith.constant 9984 : i32
        %dma_wait3A_46 = arith.constant 0 : i32
        %dma_wait3A_47 = tpu.memref_slice %arg5[%arg0, %dma_wait3A_45, %dma_wait3A_46] : memref<2x10000x128xf32, #tpu.memory_space<hbm>> -> memref<1x16x128xf32, #tpu.memory_space<hbm>>
        %dma_wait3A_48 = tpu.memref_squeeze %dma_wait3A_47 : memref<1x16x128xf32, #tpu.memory_space<hbm>> -> memref<16x128xf32, #tpu.memory_space<hbm>>
        %dma_wait3A_49 = arith.constant 9984 : i32
        %dma_wait3A_50 = arith.constant 0 : i32
        %dma_wait3A_51 = tpu.memref_slice %arg11[%dma_wait3A_49, %dma_wait3A_50] : memref<10016x128xf32, #tpu.memory_space<vmem_shared>> -> memref<16x128xf32, #tpu.memory_space<vmem_shared>>
        tpu.wait_dma2 semaphore(%run_scoped3A : memref<!tpu.dma_semaphore, #tpu.memory_space<semaphore_mem>>) src(%dma_wait3A_51 : memref<16x128xf32, #tpu.memory_space<vmem_shared>>) dst(%dma_wait3A_48 : memref<16x128xf32, #tpu.memory_space<hbm>>)
        tpu.yield
      }) : () -> ()
    } else {
    }
    return
  }
}

module attributes {stable_mosaic.version = 14 : i64} {
  func.func @body(%arg0: memref<32x10016xf32, #tpu.memory_space<vmem>>, %arg1: memref<10000x1xf32, #tpu.memory_space<vmem>>) attributes {dimension_semantics = [], scalar_prefetch = 0 : i64, scratch_operands = 0 : i64, tpu.core_type = #tpu.core_type<tc>} {
    %get3A = arith.constant 0 : index
    %get3A_0 = arith.constant 0 : index
    %get3A_1 = vector.load %arg0[%get3A, %get3A_0] : memref<32x10016xf32, #tpu.memory_space<vmem>>, vector<32x10016xf32>
    %reduce_sum3A = arith.constant dense<0.000000e+00> : vector<10016xf32>
    %reduce_sum3A_2 = vector.multi_reduction <add>, %get3A_1, %reduce_sum3A [0] : vector<32x10016xf32> to vector<10016xf32>
    %slice3A = vector.extract_strided_slice %reduce_sum3A_2 {offsets = [0], sizes = [10000], strides = [1]} : vector<10016xf32> to vector<10000xf32>
    %add3A = arith.constant 1.000000e+00 : f32
    %add3A_3 = vector.broadcast %add3A : f32 to vector<10000xf32>
    %add3A_4 = arith.addf %slice3A, %add3A_3 : vector<10000xf32>
    %rsqrt3A = math.rsqrt %add3A_4 : vector<10000xf32>
    %reshape3A = vector.shape_cast %rsqrt3A : vector<10000xf32> to vector<10000x1xf32>
    %swap3A = arith.constant 0 : index
    %swap3A_5 = arith.constant 0 : index
    %swap3A_6 = vector.load %arg1[%swap3A, %swap3A_5] : memref<10000x1xf32, #tpu.memory_space<vmem>>, vector<10000x1xf32>
    tpu.vector_store %arg1[%swap3A, %swap3A_5], %reshape3A {strides = array<i32>} : memref<10000x1xf32, #tpu.memory_space<vmem>>, vector<10000x1xf32>,
    return
  }
}

module attributes {stable_mosaic.version = 14 : i64} {
  func.func @body(%arg0: i32, %arg1: memref<2000x128xf32, #tpu.memory_space<vmem>>, %arg2: memref<128x128xf32, #tpu.memory_space<vmem>>, %arg3: memref<2000x1xf32, #tpu.memory_space<vmem>>, %arg4: memref<2000x128xf32, #tpu.memory_space<vmem>>) attributes {dimension_semantics = [#tpu.dimension_semantics<arbitrary>], iteration_bounds = array<i64: 5>, scalar_prefetch = 0 : i64, scratch_operands = 0 : i64, tpu.core_type = #tpu.core_type<tc>, window_params = [{transform_indices = @transform_0, window_bounds = array<i64: 2000, 128>}, {pipeline_mode = #tpu.pipeline_mode<synchronous>, transform_indices = @transform_1, window_bounds = array<i64: 128, 128>}, {transform_indices = @transform_2, window_bounds = array<i64: 2000, 1>}, {transform_indices = @transform_3, window_bounds = array<i64: 2000, 128>}]} {
    %get3A = arith.constant 0 : index
    %get3A_0 = arith.constant 0 : index
    %get3A_1 = vector.load %arg1[%get3A, %get3A_0] : memref<2000x128xf32, #tpu.memory_space<vmem>>, vector<2000x128xf32>
    %get3A_2 = arith.constant 0 : index
    %get3A_3 = arith.constant 0 : index
    %get3A_4 = vector.load %arg2[%get3A_2, %get3A_3] : memref<128x128xf32, #tpu.memory_space<vmem>>, vector<128x128xf32>
    %dot_general3A = arith.constant dense<0.000000e+00> : vector<2000x128xf32>
    %dot_general3A_5 = tpu.matmul %get3A_1, %get3A_4, %dot_general3A {dimension_numbers = #tpu.dot_dimension_numbers<[1], [0], [0], [1], [0, 0, 1, 1], [], []>, transpose_lhs_hint = false} : vector<2000x128xf32>, vector<128x128xf32>, vector<2000x128xf32> -> vector<2000x128xf32>
    %get3A_6 = arith.constant 0 : index
    %get3A_7 = arith.constant 0 : index
    %get3A_8 = vector.load %arg3[%get3A_6, %get3A_7] : memref<2000x1xf32, #tpu.memory_space<vmem>>, vector<2000x1xf32>
    %mul3A = vector.broadcast %get3A_8 : vector<2000x1xf32> to vector<2000x128xf32>
    %mul3A_9 = arith.mulf %dot_general3A_5, %mul3A : vector<2000x128xf32>
    %swap3A = arith.constant 0 : index
    %swap3A_10 = arith.constant 0 : index
    %swap3A_11 = vector.load %arg4[%swap3A, %swap3A_10] : memref<2000x128xf32, #tpu.memory_space<vmem>>, vector<2000x128xf32>
    tpu.vector_store %arg4[%swap3A, %swap3A_10], %mul3A_9 {strides = array<i32>} : memref<2000x128xf32, #tpu.memory_space<vmem>>, vector<2000x128xf32>,
    return
  }
  func.func @transform_0(%arg0: i32) -> (i32, i32) {
    %c0_i32 = arith.constant 0 : i32
    %c0_i32_0 = arith.constant 0 : i32
    return %arg0, %c0_i32 : i32, i32
  }
  func.func @transform_1(%arg0: i32) -> (i32, i32) {
    %c0_i32 = arith.constant 0 : i32
    %c0_i32_0 = arith.constant 0 : i32
    %c0_i32_1 = arith.constant 0 : i32
    return %c0_i32, %c0_i32_0 : i32, i32
  }
  func.func @transform_2(%arg0: i32) -> (i32, i32) {
    %c0_i32 = arith.constant 0 : i32
    %c0_i32_0 = arith.constant 0 : i32
    return %arg0, %c0_i32 : i32, i32
  }
  func.func @transform_3(%arg0: i32) -> (i32, i32) {
    %c0_i32 = arith.constant 0 : i32
    %c0_i32_0 = arith.constant 0 : i32
    return %arg0, %c0_i32 : i32, i32
  }
}

module attributes {stable_mosaic.version = 14 : i64} {
  func.func @body(%arg0: i32, %arg1: memref<2x2000x128xf32, #tpu.memory_space<vmem>>, %arg2: memref<2000x128xf32, #tpu.memory_space<vmem>>, %arg3: memref<2000x1xf32, #tpu.memory_space<vmem>>, %arg4: memref<1x128xf32, #tpu.memory_space<vmem>>, %arg5: memref<128x128xf32, #tpu.memory_space<vmem>>, %arg6: memref<2000x128xf32, #tpu.memory_space<vmem>>) attributes {dimension_semantics = [#tpu.dimension_semantics<arbitrary>], iteration_bounds = array<i64: 5>, scalar_prefetch = 0 : i64, scratch_operands = 0 : i64, tpu.core_type = #tpu.core_type<tc>, window_params = [{transform_indices = @transform_0, window_bounds = array<i64: 2, 2000, 128>}, {transform_indices = @transform_1, window_bounds = array<i64: 2000, 128>}, {transform_indices = @transform_2, window_bounds = array<i64: 2000, 1>}, {pipeline_mode = #tpu.pipeline_mode<synchronous>, transform_indices = @transform_3, window_bounds = array<i64: 1, 128>}, {pipeline_mode = #tpu.pipeline_mode<synchronous>, transform_indices = @transform_4, window_bounds = array<i64: 128, 128>}, {transform_indices = @transform_5, window_bounds = array<i64: 2000, 128>}]} {
    %get3A = arith.constant 0 : index
    %get3A_0 = arith.constant 0 : index
    %get3A_1 = vector.load %arg3[%get3A, %get3A_0] : memref<2000x1xf32, #tpu.memory_space<vmem>>, vector<2000x1xf32>
    %get3A_2 = arith.constant 0 : index
    %get3A_3 = arith.constant 0 : index
    %get3A_4 = arith.constant 0 : index
    %get3A_5 = vector.load %arg1[%get3A_2, %get3A_3, %get3A_4] : memref<2x2000x128xf32, #tpu.memory_space<vmem>>, vector<1x2000x128xf32>
    %get3A_6 = vector.shape_cast %get3A_5 : vector<1x2000x128xf32> to vector<2000x128xf32>
    %get3A_7 = arith.constant 1 : index
    %get3A_8 = arith.constant 0 : index
    %get3A_9 = arith.constant 0 : index
    %get3A_10 = vector.load %arg1[%get3A_7, %get3A_8, %get3A_9] : memref<2x2000x128xf32, #tpu.memory_space<vmem>>, vector<1x2000x128xf32>
    %get3A_11 = vector.shape_cast %get3A_10 : vector<1x2000x128xf32> to vector<2000x128xf32>
    %add3A = arith.addf %get3A_6, %get3A_11 : vector<2000x128xf32>
    %get3A_12 = arith.constant 0 : index
    %get3A_13 = arith.constant 0 : index
    %get3A_14 = vector.load %arg2[%get3A_12, %get3A_13] : memref<2000x128xf32, #tpu.memory_space<vmem>>, vector<2000x128xf32>
    %sub3A = arith.subf %add3A, %get3A_14 : vector<2000x128xf32>
    %mul3A = vector.broadcast %get3A_1 : vector<2000x1xf32> to vector<2000x128xf32>
    %mul3A_15 = arith.mulf %sub3A, %mul3A : vector<2000x128xf32>
    %get3A_16 = arith.constant 0 : index
    %get3A_17 = arith.constant 0 : index
    %get3A_18 = vector.load %arg4[%get3A_16, %get3A_17] : memref<1x128xf32, #tpu.memory_space<vmem>>, vector<1x128xf32>
    %add3A_19 = vector.broadcast %get3A_18 : vector<1x128xf32> to vector<2000x128xf32>
    %add3A_20 = arith.addf %mul3A_15, %add3A_19 : vector<2000x128xf32>
    %max3A = arith.constant 0.000000e+00 : f32
    %max3A_21 = vector.broadcast %max3A : f32 to vector<2000x128xf32>
    %max3A_22 = arith.maximumf %add3A_20, %max3A_21 : vector<2000x128xf32>
    %get3A_23 = arith.constant 0 : index
    %get3A_24 = arith.constant 0 : index
    %get3A_25 = vector.load %arg5[%get3A_23, %get3A_24] : memref<128x128xf32, #tpu.memory_space<vmem>>, vector<128x128xf32>
    %dot_general3A = arith.constant dense<0.000000e+00> : vector<2000x128xf32>
    %dot_general3A_26 = tpu.matmul %max3A_22, %get3A_25, %dot_general3A {dimension_numbers = #tpu.dot_dimension_numbers<[1], [0], [0], [1], [0, 0, 1, 1], [], []>, transpose_lhs_hint = false} : vector<2000x128xf32>, vector<128x128xf32>, vector<2000x128xf32> -> vector<2000x128xf32>
    %mul3A_27 = vector.broadcast %get3A_1 : vector<2000x1xf32> to vector<2000x128xf32>
    %mul3A_28 = arith.mulf %dot_general3A_26, %mul3A_27 : vector<2000x128xf32>
    %swap3A = arith.constant 0 : index
    %swap3A_29 = arith.constant 0 : index
    %swap3A_30 = vector.load %arg6[%swap3A, %swap3A_29] : memref<2000x128xf32, #tpu.memory_space<vmem>>, vector<2000x128xf32>
    tpu.vector_store %arg6[%swap3A, %swap3A_29], %mul3A_28 {strides = array<i32>} : memref<2000x128xf32, #tpu.memory_space<vmem>>, vector<2000x128xf32>,
    return
  }
  func.func @transform_0(%arg0: i32) -> (i32, i32, i32) {
    %c0_i32 = arith.constant 0 : i32
    %c0_i32_0 = arith.constant 0 : i32
    %c0_i32_1 = arith.constant 0 : i32
    return %c0_i32, %arg0, %c0_i32_0 : i32, i32, i32
  }
  func.func @transform_1(%arg0: i32) -> (i32, i32) {
    %c0_i32 = arith.constant 0 : i32
    %c0_i32_0 = arith.constant 0 : i32
    return %arg0, %c0_i32 : i32, i32
  }
  func.func @transform_2(%arg0: i32) -> (i32, i32) {
    %c0_i32 = arith.constant 0 : i32
    %c0_i32_0 = arith.constant 0 : i32
    return %arg0, %c0_i32 : i32, i32
  }
  func.func @transform_3(%arg0: i32) -> (i32, i32) {
    %c0_i32 = arith.constant 0 : i32
    %c0_i32_0 = arith.constant 0 : i32
    %c0_i32_1 = arith.constant 0 : i32
    return %c0_i32, %c0_i32_0 : i32, i32
  }
  func.func @transform_4(%arg0: i32) -> (i32, i32) {
    %c0_i32 = arith.constant 0 : i32
    %c0_i32_0 = arith.constant 0 : i32
    %c0_i32_1 = arith.constant 0 : i32
    return %c0_i32, %c0_i32_0 : i32, i32
  }
  func.func @transform_5(%arg0: i32) -> (i32, i32) {
    %c0_i32 = arith.constant 0 : i32
    %c0_i32_0 = arith.constant 0 : i32
    return %arg0, %c0_i32 : i32, i32
  }
}

module attributes {stable_mosaic.version = 14 : i64} {
  func.func @body(%arg0: i32, %arg1: memref<2x2000x128xf32, #tpu.memory_space<vmem>>, %arg2: memref<2000x128xf32, #tpu.memory_space<vmem>>, %arg3: memref<2000x1xf32, #tpu.memory_space<vmem>>, %arg4: memref<1x64xf32, #tpu.memory_space<vmem>>, %arg5: memref<2000x64xf32, #tpu.memory_space<vmem>>) attributes {dimension_semantics = [#tpu.dimension_semantics<arbitrary>], iteration_bounds = array<i64: 5>, scalar_prefetch = 0 : i64, scratch_operands = 0 : i64, tpu.core_type = #tpu.core_type<tc>, window_params = [{transform_indices = @transform_0, window_bounds = array<i64: 2, 2000, 128>}, {transform_indices = @transform_1, window_bounds = array<i64: 2000, 128>}, {transform_indices = @transform_2, window_bounds = array<i64: 2000, 1>}, {pipeline_mode = #tpu.pipeline_mode<synchronous>, transform_indices = @transform_3, window_bounds = array<i64: 1, 64>}, {transform_indices = @transform_4, window_bounds = array<i64: 2000, 64>}]} {
    %get3A = arith.constant 0 : index
    %get3A_0 = arith.constant 0 : index
    %get3A_1 = arith.constant 0 : index
    %get3A_2 = vector.load %arg1[%get3A, %get3A_0, %get3A_1] : memref<2x2000x128xf32, #tpu.memory_space<vmem>>, vector<1x2000x128xf32>
    %get3A_3 = vector.shape_cast %get3A_2 : vector<1x2000x128xf32> to vector<2000x128xf32>
    %get3A_4 = arith.constant 1 : index
    %get3A_5 = arith.constant 0 : index
    %get3A_6 = arith.constant 0 : index
    %get3A_7 = vector.load %arg1[%get3A_4, %get3A_5, %get3A_6] : memref<2x2000x128xf32, #tpu.memory_space<vmem>>, vector<1x2000x128xf32>
    %get3A_8 = vector.shape_cast %get3A_7 : vector<1x2000x128xf32> to vector<2000x128xf32>
    %add3A = arith.addf %get3A_3, %get3A_8 : vector<2000x128xf32>
    %get3A_9 = arith.constant 0 : index
    %get3A_10 = arith.constant 0 : index
    %get3A_11 = vector.load %arg2[%get3A_9, %get3A_10] : memref<2000x128xf32, #tpu.memory_space<vmem>>, vector<2000x128xf32>
    %sub3A = arith.subf %add3A, %get3A_11 : vector<2000x128xf32>
    %get3A_12 = arith.constant 0 : index
    %get3A_13 = arith.constant 0 : index
    %get3A_14 = vector.load %arg3[%get3A_12, %get3A_13] : memref<2000x1xf32, #tpu.memory_space<vmem>>, vector<2000x1xf32>
    %mul3A = vector.broadcast %get3A_14 : vector<2000x1xf32> to vector<2000x128xf32>
    %mul3A_15 = arith.mulf %sub3A, %mul3A : vector<2000x128xf32>
    %slice3A = vector.extract_strided_slice %mul3A_15 {offsets = [0, 0], sizes = [2000, 64], strides = [1, 1]} : vector<2000x128xf32> to vector<2000x64xf32>
    %get3A_16 = arith.constant 0 : index
    %get3A_17 = arith.constant 0 : index
    %get3A_18 = vector.load %arg4[%get3A_16, %get3A_17] : memref<1x64xf32, #tpu.memory_space<vmem>>, vector<1x64xf32>
    %add3A_19 = vector.broadcast %get3A_18 : vector<1x64xf32> to vector<2000x64xf32>
    %add3A_20 = arith.addf %slice3A, %add3A_19 : vector<2000x64xf32>
    %swap3A = arith.constant 0 : index
    %swap3A_21 = arith.constant 0 : index
    %swap3A_22 = vector.load %arg5[%swap3A, %swap3A_21] : memref<2000x64xf32, #tpu.memory_space<vmem>>, vector<2000x64xf32>
    tpu.vector_store %arg5[%swap3A, %swap3A_21], %add3A_20 {strides = array<i32>} : memref<2000x64xf32, #tpu.memory_space<vmem>>, vector<2000x64xf32>,
    return
  }
  func.func @transform_0(%arg0: i32) -> (i32, i32, i32) {
    %c0_i32 = arith.constant 0 : i32
    %c0_i32_0 = arith.constant 0 : i32
    %c0_i32_1 = arith.constant 0 : i32
    return %c0_i32, %arg0, %c0_i32_0 : i32, i32, i32
  }
  func.func @transform_1(%arg0: i32) -> (i32, i32) {
    %c0_i32 = arith.constant 0 : i32
    %c0_i32_0 = arith.constant 0 : i32
    return %arg0, %c0_i32 : i32, i32
  }
  func.func @transform_2(%arg0: i32) -> (i32, i32) {
    %c0_i32 = arith.constant 0 : i32
    %c0_i32_0 = arith.constant 0 : i32
    return %arg0, %c0_i32 : i32, i32
  }
  func.func @transform_3(%arg0: i32) -> (i32, i32) {
    %c0_i32 = arith.constant 0 : i32
    %c0_i32_0 = arith.constant 0 : i32
    %c0_i32_1 = arith.constant 0 : i32
    return %c0_i32, %c0_i32_0 : i32, i32
  }
  func.func @transform_4(%arg0: i32) -> (i32, i32) {
    %c0_i32 = arith.constant 0 : i32
    %c0_i32_0 = arith.constant 0 : i32
    return %arg0, %c0_i32 : i32, i32
  }
}

</mosaic_0001>

<sc_bundles>
// kernel: kernel.12.cloned.1.call-start
scs
__scs_entry_jumppad:
0x0: {  	(pc) =	sbr.rel $0x88, $3  }
0x1: {  	(tag) =	ssettag $0x0;
	lr =	simm.s32 $0x1  }
0x2: {  	[smem:$0x3F9B] =	sst lr;
	_ =	strace $0xD0000000  }
0x3: {  	_ = 	snop  }
0x4: {  	_ = 	snop  }
0x5: {  	_ = 	snop  }
0x6: {  	_ = 	snop  }
0x7: {  	_ = 	snop  }
__scs_overlays_trampoline_lowered:
0x8: {  	[smem:$0x3FAA] =	sst s0  }
0x9: {  	[smem:$0x3FAB] =	sst s1  }
0xa: {  	[smem:$0x3FAC] =	sst s2  }
0xb: {  	[smem:$0x3FAD] =	sst s3  }
0xc: {  	[smem:$0x3FAE] =	sst s4  }
0xd: {  	[smem:$0x3FAF] =	sst s5  }
0xe: {  	[smem:$0x3FB0] =	sst s6  }
0xf: {  	[smem:$0x3FB1] =	sst s7  }
0x10: {  	[smem:$0x3FB2] =	sst s8  }
0x11: {  	[smem:$0x3FB3] =	sst s9;
	s0 =	simm.s32 @!p0 $0x0  }
0x12: {  	s1 =	sld [smem:$0x3F99];
	s0 =	simm.s32 @p0 $0x1  }
0x13: {  	[smem:$0x3FB4] =	sst s0;
	s0 =	simm.s32 @!p1 $0x0  }
0x14: {  	s2 =	sld [smem:$0x3F98];
	s0 =	simm.s32 @p1 $0x1  }
0x15: {  	[smem:$0x3FB5] =	sst s0;
	s0 =	simm.s32 @!p2 $0x0  }
0x16: {  	s3 =	sld [smem:$0x3FDB];
	s0 =	simm.s32 @p2 $0x1  }
0x17: {  	s4 =	simm.s32 $0x1BF5;
	[smem:$0x3FB7] =	sst s0  }
0x18: {  	s0 =	sld [smem:$0x3F9A];
	_ =	swait.ge [sflag:s4], $0x0  }
0x19: {  	s7 =	sld [smem:$0x3F9B]  }
0x1a: {  	s8 =	sadd.s32 $0xFFFFE003, lr  }
0x1b: {  	s9 =	sadd.s32 $0xFFFFFEF7, lr;
	s5 =	simm.s32 $0xFFFFFFFF;
	p2 =	slt.u32 s8, $0xFFFFF086  }
0x1c: {  	p1 =	slt.u32 s9, $0xF7A;
	s5 =	simm.s32 @!p2 $0x0  }
0x1d: {  	s5 =	simm.s32 @p1 $0x1;
	p0 =	seq.s32 s7, s2  }
0x1e: {  	s7 =	smul.u32 @!p0 $0xF7A, s2;
	p2 =	seq.s32 @!p0 s5, $0x0  }
0x1f: {  	s9 =	smul.u32 $0xF7A, s1;
	s8 =	simm.s32 @!p0 $0x1BF5;
	p2 =	por !p2, p0  }
0x20: {  	[sflag:s8] =	ssyncset.s32 @!p0 $0xFFFFF086;
	s6 =	sadd.s32 @!p0 s3, s7;
	s7 =	simm.s32 @!p0 $0x108  }
0x21: {  	s3 =	sadd.s32 s3, s9;
	s6 =	sadd.s32 @!p0 $0x88, s6;
	s7 =	simm.s32 @p2 $0x1082  }
0x22: {  	[simem:s7], [sflag:s8] =	dma.local @!p0 [hbm:s6], $0xF7A  }
0x23: {  	s9 =	sor.u32 $0xD0000000, s2;
	s6 =	simm.s32 $0x108;
	_ =	swait.ge @!p0 [sflag:s8], $0x0  }
0x24: {  	s3 =	sadd.s32 $0x88, s3;
	s6 =	simm.s32 @!p1 $0x1082;
	[sflag:s4] =	ssyncset.s32 $0xFFFFF086  }
0x25: {  	[simem:s6], [sflag:s4] =	dma.local [hbm:s3], $0xF7A  }
0x26: {  	[smem:$0x3F9B] =	sst s1;
	(tag) =	ssettag s2;
	_ =	strace s9  }
0x27: {  	s1 =	sld [smem:$0x3FAB]  }
0x28: {  	s2 =	sld [smem:$0x3FAC]  }
0x29: {  	s4 =	sld [smem:$0x3FAE]  }
0x2a: {  	p0 =	seq.s32 s5, $0x0;
	s5 =	sld [smem:$0x3FAF]  }
0x2b: {  	s6 =	sld [smem:$0x3FB0]  }
0x2c: {  	s7 =	sld [smem:$0x3FB1]  }
0x2d: {  	s3 =	simm.s32 $0x108;
	s8 =	sld [smem:$0x3FB2]  }
0x2e: {  	s3 =	simm.s32 @!p0 $0x1082;
	s9 =	sld [smem:$0x3FB3]  }
0x2f: {  	lr =	sadd.s32 s0, s3;
	s0 =	sld [smem:$0x3FAA]  }
0x30: {  	s3 =	sld [smem:$0x3FAD]  }
0x31: {  	[smem:$0x3FB6] =	sst s10  }
0x32: {  	s10 =	sld [smem:$0x3FB4];
	_ =	sdelay $0x3  }
0x33: {  	p0 =	seq.s32 s10, $0x1;
	s10 =	sld [smem:$0x3FB6];
	_ =	sdelay $0x3  }
0x34: {  	[smem:$0x3FB6] =	sst s10  }
0x35: {  	s10 =	sld [smem:$0x3FB5];
	_ =	sdelay $0x3  }
0x36: {  	p1 =	seq.s32 s10, $0x1;
	s10 =	sld [smem:$0x3FB6];
	_ =	sdelay $0x3  }
0x37: {  	[smem:$0x3FB6] =	sst s10  }
0x38: {  	s10 =	sld [smem:$0x3FB7]  }
0x39: {  	_ = 	snop;
	(pc) =	sbr.ind lr, $3  }
0x3a: {  	_ = 	snop  }
0x3b: {  	_ = 	snop  }
0x3c: {  	p2 =	seq.s32 s10, $0x1;
	s10 =	sld [smem:$0x3FB6]  }
0x3d: {  	_ =	shalt  }
0x3e: {  	_ =	shalt  }
0x3f: {  	_ =	shalt  }
0x40: {  	_ =	shalt  }
0x41: {  	_ =	shalt  }
0x42: {  	_ =	shalt  }
0x43: {  	_ =	shalt  }
0x44: {  	_ =	shalt  }
0x45: {  	_ =	shalt  }
0x46: {  	_ =	shalt  }
0x47: {  	_ =	shalt  }
0x48: {  	_ =	shalt  }
0x49: {  	_ =	shalt  }
0x4a: {  	_ =	shalt  }
0x4b: {  	_ =	shalt  }
0x4c: {  	_ =	shalt  }
0x4d: {  	_ =	shalt  }
0x4e: {  	_ =	shalt  }
0x4f: {  	_ =	shalt  }
0x50: {  	_ =	shalt  }
0x51: {  	_ =	shalt  }
0x52: {  	_ =	shalt  }
0x53: {  	_ =	shalt  }
0x54: {  	_ =	shalt  }
0x55: {  	_ =	shalt  }
0x56: {  	_ =	shalt  }
0x57: {  	_ =	shalt  }
0x58: {  	_ =	shalt  }
0x59: {  	_ =	shalt  }
0x5a: {  	_ =	shalt  }
0x5b: {  	_ =	shalt  }
0x5c: {  	_ =	shalt  }
0x5d: {  	_ =	shalt  }
0x5e: {  	_ =	shalt  }
0x5f: {  	_ =	shalt  }
0x60: {  	_ =	shalt  }
0x61: {  	_ =	shalt  }
0x62: {  	_ =	shalt  }
0x63: {  	_ =	shalt  }
0x64: {  	_ =	shalt  }
0x65: {  	_ =	shalt  }
0x66: {  	_ =	shalt  }
0x67: {  	_ =	shalt  }
0x68: {  	_ =	shalt  }
0x69: {  	_ =	shalt  }
0x6a: {  	_ =	shalt  }
0x6b: {  	_ =	shalt  }
0x6c: {  	_ =	shalt  }
0x6d: {  	_ =	shalt  }
0x6e: {  	_ =	shalt  }
0x6f: {  	_ =	shalt  }
0x70: {  	_ =	shalt  }
0x71: {  	_ =	shalt  }
0x72: {  	_ =	shalt  }
0x73: {  	_ =	shalt  }
0x74: {  	_ =	shalt  }
0x75: {  	_ =	shalt  }
0x76: {  	_ =	shalt  }
0x77: {  	_ =	shalt  }
0x78: {  	_ =	shalt  }
0x79: {  	_ =	shalt  }
0x7a: {  	_ =	shalt  }
0x7b: {  	_ =	shalt  }
0x7c: {  	_ =	shalt  }
0x7d: {  	_ =	shalt  }
0x7e: {  	_ =	shalt  }
0x7f: {  	_ =	shalt  }
0x80: {  	_ =	shalt  }
0x81: {  	_ =	shalt  }
0x82: {  	_ =	shalt  }
0x83: {  	_ =	shalt  }
0x84: {  	_ =	shalt  }
0x85: {  	_ =	shalt  }
0x86: {  	_ =	shalt  }
0x87: {  	_ =	shalt  }
.Lfunc_end0:
.L_simem_size_0:
called_computation.1_lowered:
.L_overlay_start_0:
0x88: {  	s2 =	sld [smem:$0x3FD9]  }
0x89: {  	s3 =	sld [smem:$0x3FFE];
	_ =	sdelay $0x1  }
0x8a: {  	s1 =	srdreg.scid  }
0x8b: {  	s0 =	sand.u32 $0x1, s1  }
0x8c: {  	s16 =	sshll.u32 s0, $0xA;
	s2 =	sadd.s32 s3, s2  }
0x8d: {  	s2 =	sadd.s32 s2, s16  }
0x8e: {  	[smem:$0x3FC2] =	sst s2  }
0x8f: {  	_ = 	snop  }
0x90: {  	(tm) =	ssettm $0x1  }
0x91: {  	s17 =	sld [smem:$0x3FFB];
	_ =	sdelay $0x3  }
0x92: {  	_ =	strace s17  }
0x93: {  	s2 =	sld [smem:$0x3FFC];
	_ =	sdelay $0x3  }
0x94: {  	_ =	strace s2  }
0x95: {  	s2 =	sld [smem:$0x3FFD];
	_ =	sdelay $0x3  }
0x96: {  	_ =	strace s2  }
0x97: {  	_ =	strace $0x8FFFFFFF  }
0x98: {  	s18 =	sld [smem:$0x3FDB];
	_ =	sdelay $0x1  }
0x99: {  	s19 =	simm.s32 $_scs_section_size  }
0x9a: {  	s4 =	simm.s32 $_size__tile_overlayer_lowered;
	s5 =	simm.s32 $_tile_overlayer_lowered  }
0x9b: {  	s22 =	simm.s32 $0x1BFF;
	s21 =	sshll.u32 s5, $0x1;
	s2 =	sadd.s32 s19, s18  }
0x9c: {  	s6 =	simm.s32 $0x0;
	s20 =	sshll.u32 s4, $0x1;
	s4 =	sadd.s32 s21, s2  }
0x9d: {  	[timem:s6], [sflag:s22] =	dma.local [hbm:s4], s20  }
0x9e: {  	_ =	swait.ge [sflag:s22], s20  }
0x9f: {  	s3 =	ssub.s32 $0x0, s20;
	[sflag:s22] =	ssyncset.done $0x0  }
0xa0: {  	[sflag:s22] =	ssyncadd.s32 s3;
	_ =	sdelay $0x1  }
0xa1: {  	s23 =	simm.s32 $0x1B8B  }
0xa2: {  	_ =	swait.ge [sflag:s23], $0x1  }
0xa3: {  	[sflag:s23] =	ssyncset.done $0x0  }
0xa4: {  	s25 =	simm.s32 $0x1B8E;
	s24 =	sld [smem:$0x3FFE];
	[sflag:s23] =	ssyncadd.s32 $0xFFFFFFFF  }
0xa5: {  	s26 =	simm.s32 $execute0_lowered;
	[smem:$0x3FD2] =	sst s25  }
0xa6: {  	s4 =	sshll.u32 s26, $0x1;
	_ =	strace $0x80000049;
	[dreg:$0x1] =	wrdreg $0xFFFFFFFF  }
0xa7: {  	s28 =	simm.s32 $_size_execute0_lowered;
	s2 =	sadd.s32 s2, s4;
	[dreg:$0x0] =	wrdreg $0x0  }
0xa8: {  	s4 =	sshll.u32 s28, $0x1;
	[dreg:$0x2] =	wrdreg s2  }
0xa9: {  	[dreg:$0x3] =	wrdreg s4  }
0xaa: {  	[dreg:$0x4] =	wrdreg $0xC0  }
0xab: {  	_ =	task [dreg:s6], $0x5FFFF  }
0xac: {  	[dreg:$0x1] =	wrdreg $0xFFFFFFFF  }
0xad: {  	[dreg:$0x0] =	wrdreg $0x60  }
0xae: {  	[dreg:$0x2] =	wrdreg s24  }
0xaf: {  	[dreg:$0x3] =	wrdreg $0xA9000  }
0xb0: {  	[dreg:$0x4] =	wrdreg $0x9  }
0xb1: {  	_ =	task.clear_ibuf [dreg:s6], $0x5FFFF;
	_ =	strace $0x90000049  }
0xb2: {  	s29 =	simm.s32 $0x9;
	_ =	strace $0x8000004B  }
0xb3: {  	_ =	swait.ge [sflag:s29], $0x1  }
0xb4: {  	[sflag:s29] =	ssyncadd.s32 $0xFFFFFFFF  }
0xb5: {  	_ =	strace $0x9000004B  }
0xb6: {  	_ =	sfence  }
0xb7: {  	s30 =	sld [smem:$0x0];
	_ =	sdelay $0x2  }
0xb8: {  	s31 =	sshll.u32 s1, $0xD;
	s1 =	sshrl.u32 s1, $0x2  }
0xb9: {  	s3 =	sand.u32 $0x4000, s31;
	s1 =	sadd.s32 s1, s30  }
0xba: {  	s0 =	sor.u32 s3, s0;
	s1 =	sshll.u32 s1, $0x11  }
0xbb: {  	s0 =	sor.u32 s1, s0  }
0xbc: {  	s0 =	sadd.s32 $0x8F2B, s0  }
0xbd: {  	[sflag:s0] =	ssyncadd.remote.s32 $0x1  }
0xbe: {  	_ =	sfence.sel $0xFFFF  }
0xbf: {  	[dreg:$0x0] =	wrdreg $0xFFFFFFFF;
	(pc) =	sbr.abs _section_cstart, $3  }
0xc0: {  	[dreg:$0x1] =	wrdreg $0xFFFFFFFF  }
0xc1: {  	_ =	task.clear_ibuf [dreg:s6], $0x2FFFF;
	_ =	strace $0x9FFFFFFF  }
0xc2: {  	(tm) =	ssettm $0x7FFFFFFF  }
0xc3: {  	_ =	shalt  }
tec
execute0_lowered:
.L_overlay_start_1:
0x0: {  	(tag) =	ssettag $0x1  }
0x1: {  	s0 =	rddreg [dreg:$0x0]  }
0x2: {  	s2 =	srdreg.scid;
	s6 =	stileid.u32  }
0x3: {  	s1 =	rddreg [dreg:$0x1];
	s18 =	simm.s32 $0x2800;
	s19 =	simm.s32 $0x1  }
0x4: {  	s20 =	simm.s32 $0x2900;
	s21 =	simm.s32 $0x2880;
	s30 =	simm.s32 $0x0  }
0x5: {  	s7 =	sand.u32 $0x1, s2;
	s3 =	sshll.u32 s6, $0x1;
	s2 =	simm.s32 $0x0  }
0x6: {  	s4 =	sadd.s32 $0x1FC00, s0;
	s5 =	sadd.s32 $0xBC00, s0;
	s11 =	smul.u32 $0x4E000, s6  }
0x7: {  	s12 =	sadd.s32 $0x46E00, s0;
	s14 =	smul.u32 $0x13800, s6;
	s17 =	sadd.s32 $0x138000, s1  }
0x8: {  	p0 =	sne.s32 s6, $0x0;
	s31 =	sshll.u32 s6, $0x6;
	s3 =	sor.u32 s7, s3  }
0x9: {  	[smem:$0x7FF] =	sst s2;
	s10 =	ssub.s32 $0x2, s7;
	s24 =	smul.u32 $0x138800, s7  }
0xa: {  	s15 =	sor.u32 $0x1C05, s31;
	s17 =	sshrl.u32 @!p0 s17, $0x3;
	s3 =	smul.u32 $0x2800, s3  }
0xb: {  	_ =	strace $0x8000004A;
	s13 =	sshrl.u32 s10, $0x1;
	s22 =	sshrl.u32 s11, $0x2  }
0xc: {  	s23 =	sshrl.u32 s14, $0x3;
	s13 =	ssub.s32 s10, s13;
	s16 =	sadd.s32 s22, s1  }
0xd: {  	s25 =	sadd.s32 s4, s23;
	s26 =	sadd.s32 s14, s24;
	s28 =	sshrl.u32 s24, $0x3  }
0xe: {  	s14 =	simm.s32 $0x5;
	s22 =	simm.s32 $0x3;
	s23 =	simm.s32 $0x2  }
0xf: {  	s24 =	simm.s32 $0x80;
	s9 =	sshrl.u32 s3, $0x3;
	[dreg:$0x4] =	wrdreg s25  }
0x10: {  	s29 =	sadd.s32 s12, s28;
	s13 =	smax.u32 s13, $0x1;
	s16 =	sshrl.u32 s16, $0x3  }
0x11: {  	s25 =	simm.s32 $0x6900;
	s8 =	sadd.s32 s9, s0;
	s0 =	sadd.s32 $0x46C00, s0  }
0x12: {  	s9 =	sadd.s32 s5, s9;
	s8 =	sadd.s32 $0x15C00, s8;
	[dreg:$0x5] =	wrdreg s0  }
0x13: {  	s10 =	sadd.s32 $0x10, s9;
	s0 =	sshrl.u32 s26, $0x3;
	s26 =	simm.s32 $0x4  }
0x14: {  	[dreg:$0x3] =	wrdreg s8;
	s11 =	sadd.s32 s12, s0;
	s12 =	sadd.s32 $0x27000, s29  }
.LBB2_1:
0x15: {  	s0 =	rddreg [dreg:$0x3]  }
0x16: {  	[tilespmem:s2], [sflag:$0x5] =	stream.linear.gather [hbm4b:s0+s2], $0x2800, $0x38;
	[tilespmem:$0x1E200] =	vst v63  }
0x17: {  	_ =	swait.ge [sflag:s14], $0x2800  }
0x18: {  	[sflag:s14] =	ssyncset.done $0x0  }
0x19: {  	s7 =	rddreg [dreg:$0x4];
	[sflag:s14] =	ssyncadd.s32 $0xFFFFD800  }
0x1a: {  	[spmem:s16], [sflag:s15] =	dma.local [hbm:s7], $0x2700  }
0x1b: {  	_ =	swait.ge [sflag:s14], $0x2700  }
0x1c: {  	[sflag:s14] =	ssyncset.done $0x0  }
0x1d: {  	s0 =	rddreg [dreg:$0x5];
	[sflag:s14] =	ssyncadd.s32 $0xFFFFD900  }
0x1e: {  	[spmem:s17], [sflag:s15] =	dma.local @!p0 [hbm:s0], $0x100  }
0x1f: {  	s0 =	simm.s32 @!p0 $0x5  }
0x20: {  	_ =	swait.ge @!p0 [sflag:s0], $0x100  }
0x21: {  	[sflag:s0] =	ssyncset.done @!p0 $0x0  }
0x22: {  	[sflag:s0] =	ssyncadd.s32 @!p0 $0xFFFFFF00  }
0x23: {  	[bflag:$0x0] =	sbarrier.arrive $0xFFFF  }
0x24: {  	[tilespmem:s18], [sflag:$0x1] =	stream.linear.gather [hbm4b:s9+s2], $0x80, $0x38;
	[tilespmem:$0x1E200] =	vst v63  }
0x25: {  	_ =	swait.ge [sflag:s19], $0x80  }
0x26: {  	s8 =	simm.s32 $0x100;
	[sflag:s19] =	ssyncset.done $0x0  }
0x27: {  	s6 =	sand.u32 $0x7C00, s8;
	[sflag:s19] =	ssyncadd.s32 $0xFFFFFF80  }
0x28: {  	[tilespmem:s20], [sflag:$0x3] =	stream.indirect.gather [hbm4b:s4+s24], $0x80, s18, s24, $0xb8;
	[tilespmem:$0x1E200] =	vst v63  }
0x29: {  	s6 =	sadd.s32 s3, s6;
	s0 =	sand.u32 $0x300, s8  }
0x2a: {  	[tilespmem:s21], [sflag:$0x2] =	stream.linear.gather [hbm4b:s10+s2], $0x80, $0x38;
	[tilespmem:$0x1E200] =	vst v63  }
0x2b: {  	s0 =	sor.u32 s0, s6;
	_ =	swait.ge [sflag:s22], $0x4000  }
0x2c: {  	s0 =	sshrl.u32 s0, $0x3;
	[sflag:s22] =	ssyncset.done $0x0  }
0x2d: {  	s0 =	sadd.s32 s5, s0;
	[sflag:s22] =	ssyncadd.s32 $0xFFFFC000  }
0x2e: {  	[tilespmem:s18], [sflag:$0x1] =	stream.linear.gather [hbm4b:s0+s2], $0x80, $0x38;
	[tilespmem:$0x1E200] =	vst v63  }
0x2f: {  	_ =	swait.ge [sflag:s23], $0x80  }
0x30: {  	[sflag:s23] =	ssyncset.done $0x0  }
0x31: {  	[sflag:s23] =	ssyncadd.s32 $0xFFFFFF80  }
0x32: {  	[tilespmem:s25], [sflag:$0x4] =	stream.indirect.gather [hbm4b:s4+s24], $0x80, s21, s24, $0xb8;
	[tilespmem:$0x1E200] =	vst v63  }
0x33: {  	s6 =	simm.s32 $0x0  }
0x34: {  	[spmem:s1] =	stream.indirect.scatter.add.f32 [tilespmem:s20], [sflag:$0x5], $0x80, s6, s24, $0xb8;
	[tilespmem:$0x1E200] =	vst v63  }
0x35: {  	s7 =	simm.s32 $0x180;
	_ =	swait.ge [sflag:s14], $0x4000  }
0x36: {  	s8 =	sand.u32 $0x7C00, s7;
	[sflag:s14] =	ssyncset.done $0x0  }
0x37: {  	s0 =	sand.u32 $0x380, s7;
	s6 =	sadd.s32 s3, s8;
	[sflag:s14] =	ssyncadd.s32 $0xFFFFC000  }
0x38: {  	s0 =	sor.u32 s0, s6;
	_ =	swait.ge [sflag:s26], $0x4000  }
0x39: {  	s0 =	sshrl.u32 s0, $0x3;
	[sflag:s26] =	ssyncset.done $0x0  }
0x3a: {  	s0 =	sadd.s32 s5, s0;
	[sflag:s26] =	ssyncadd.s32 $0xFFFFC000  }
0x3b: {  	[tilespmem:s21], [sflag:$0x2] =	stream.linear.gather [hbm4b:s0+s2], $0x80, $0x38;
	[tilespmem:$0x1E200] =	vst v63  }
0x3c: {  	_ =	swait.ge [sflag:s19], $0x80  }
0x3d: {  	[sflag:s19] =	ssyncset.done $0x0  }
0x3e: {  	[sflag:s19] =	ssyncadd.s32 $0xFFFFFF80  }
0x3f: {  	[tilespmem:s20], [sflag:$0x3] =	stream.indirect.gather [hbm4b:s4+s24], $0x80, s18, s24, $0xb8;
	[tilespmem:$0x1E200] =	vst v63  }
0x40: {  	_ = 	snop  }
0x41: {  	[spmem:s1] =	stream.indirect.scatter.add.f32 [tilespmem:s25], [sflag:$0x5], $0x80, s24, s24, $0xb8;
	[tilespmem:$0x1E200] =	vst v63  }
0x42: {  	s28 =	simm.s32 $0x380;
	s29 =	simm.s32 $0x200;
	_ =	swait.ge [sflag:s14], $0x4000  }
0x43: {  	s31 =	simm.s32 $0x180;
	s0 =	simm.s32 $0x280;
	[sflag:s14] =	ssyncset.done $0x0  }
.LBB2_2:
0x44: {  	s7 =	sand.u32 $0x7C00, s29  }
0x45: {  	[sflag:s14] =	ssyncadd.s32 $0xFFFFC000;
	s8 =	smov.u32 s28;
	s6 =	sadd.s32 $0x100, s28  }
0x46: {  	p1 =	sne.s32 s28, $0x2780;
	s28 =	sand.u32 $0x300, s29;
	s7 =	sadd.s32 s3, s7  }
0x47: {  	_ =	swait.ge [sflag:s22], $0x4000;
	s7 =	sor.u32 s28, s7  }
0x48: {  	[sflag:s22] =	ssyncset.done $0x0;
	s7 =	sshrl.u32 s7, $0x3  }
0x49: {  	[sflag:s22] =	ssyncadd.s32 $0xFFFFC000;
	s7 =	sadd.s32 s5, s7  }
0x4a: {  	[tilespmem:s18], [sflag:$0x1] =	stream.linear.gather [hbm4b:s7+s2], $0x80, $0x38;
	[tilespmem:$0x1E200] =	vst v63  }
0x4b: {  	_ =	swait.ge [sflag:s23], $0x80  }
0x4c: {  	[sflag:s23] =	ssyncset.done $0x0  }
0x4d: {  	[sflag:s23] =	ssyncadd.s32 $0xFFFFFF80  }
0x4e: {  	[tilespmem:s25], [sflag:$0x4] =	stream.indirect.gather [hbm4b:s4+s24], $0x80, s21, s24, $0xb8;
	[tilespmem:$0x1E200] =	vst v63  }
0x4f: {  	s7 =	sadd.s32 $0xFFFFFF80, s31  }
0x50: {  	[spmem:s1] =	stream.indirect.scatter.add.f32 [tilespmem:s20], [sflag:$0x5], $0x80, s7, s24, $0xb8;
	[tilespmem:$0x1E200] =	vst v63  }
0x51: {  	_ =	swait.ge [sflag:s14], $0x4000  }
0x52: {  	s7 =	sand.u32 $0x7C00, s0;
	[sflag:s14] =	ssyncset.done $0x0  }
0x53: {  	s0 =	sand.u32 $0x380, s0;
	s7 =	sadd.s32 s3, s7;
	[sflag:s14] =	ssyncadd.s32 $0xFFFFC000  }
0x54: {  	s7 =	sor.u32 s0, s7;
	s0 =	smov.u32 s8;
	_ =	swait.ge [sflag:s26], $0x4000  }
0x55: {  	s7 =	sshrl.u32 s7, $0x3;
	[sflag:s26] =	ssyncset.done $0x0  }
0x56: {  	s7 =	sadd.s32 s5, s7;
	[sflag:s26] =	ssyncadd.s32 $0xFFFFC000  }
0x57: {  	[tilespmem:s21], [sflag:$0x2] =	stream.linear.gather [hbm4b:s7+s2], $0x80, $0x38;
	[tilespmem:$0x1E200] =	vst v63  }
0x58: {  	_ =	swait.ge [sflag:s19], $0x80  }
0x59: {  	[sflag:s19] =	ssyncset.done $0x0  }
0x5a: {  	[sflag:s19] =	ssyncadd.s32 $0xFFFFFF80  }
0x5b: {  	[tilespmem:s20], [sflag:$0x3] =	stream.indirect.gather [hbm4b:s4+s24], $0x80, s18, s24, $0xb8;
	[tilespmem:$0x1E200] =	vst v63  }
.Ltmp0:
0x5c: {  	_ = 	snop;
	(pc) =	sbr.rel @p1 .LBB2_2-.Ltmp0, $4  }
0x5d: {  	_ = 	snop  }
0x5e: {  	[spmem:s1] =	stream.indirect.scatter.add.f32 [tilespmem:s25], [sflag:$0x5], $0x80, s31, s24, $0xb8;
	[tilespmem:$0x1E200] =	vst v63  }
0x5f: {  	s28 =	smov.u32 s6;
	_ =	swait.ge [sflag:s14], $0x4000  }
0x60: {  	s29 =	sadd.s32 $0xFFFFFF80, s0;
	s31 =	sadd.s32 $0x100, s31;
	[sflag:s14] =	ssyncset.done $0x0  }
0x61: {  	s6 =	sand.u32 $0x7C00, s29  }
0x62: {  	[sflag:s14] =	ssyncadd.s32 $0xFFFFC000;
	s7 =	sand.u32 $0x300, s29;
	s6 =	sadd.s32 s3, s6  }
0x63: {  	_ =	swait.ge [sflag:s22], $0x4000;
	s6 =	sor.u32 s7, s6  }
0x64: {  	[sflag:s22] =	ssyncset.done $0x0;
	s6 =	sshrl.u32 s6, $0x3  }
0x65: {  	[sflag:s22] =	ssyncadd.s32 $0xFFFFC000;
	s6 =	sadd.s32 s5, s6  }
0x66: {  	[tilespmem:s18], [sflag:$0x1] =	stream.linear.gather [hbm4b:s6+s2], $0x80, $0x38;
	[tilespmem:$0x1E200] =	vst v63  }
0x67: {  	_ =	swait.ge [sflag:s23], $0x80  }
0x68: {  	[sflag:s23] =	ssyncset.done $0x0  }
0x69: {  	[sflag:s23] =	ssyncadd.s32 $0xFFFFFF80  }
0x6a: {  	[tilespmem:s25], [sflag:$0x4] =	stream.indirect.gather [hbm4b:s4+s24], $0x80, s21, s24, $0xb8;
	[tilespmem:$0x1E200] =	vst v63  }
0x6b: {  	s7 =	sadd.s32 $0xFFFFFF80, s31  }
0x6c: {  	[spmem:s1] =	stream.indirect.scatter.add.f32 [tilespmem:s20], [sflag:$0x5], $0x80, s7, s24, $0xb8;
	[tilespmem:$0x1E200] =	vst v63  }
0x6d: {  	_ =	swait.ge [sflag:s14], $0x4000  }
0x6e: {  	s8 =	sand.u32 $0x7C00, s0;
	[sflag:s14] =	ssyncset.done $0x0  }
0x6f: {  	s28 =	sand.u32 $0x380, s0;
	s6 =	sadd.s32 s3, s8;
	[sflag:s14] =	ssyncadd.s32 $0xFFFFC000  }
0x70: {  	s0 =	sor.u32 s28, s6;
	_ =	swait.ge [sflag:s26], $0x4000  }
0x71: {  	s0 =	sshrl.u32 s0, $0x3;
	[sflag:s26] =	ssyncset.done $0x0  }
0x72: {  	s0 =	sadd.s32 s5, s0;
	[sflag:s26] =	ssyncadd.s32 $0xFFFFC000  }
0x73: {  	[tilespmem:s21], [sflag:$0x2] =	stream.linear.gather [hbm4b:s0+s2], $0x80, $0x38;
	[tilespmem:$0x1E200] =	vst v63  }
0x74: {  	_ =	swait.ge [sflag:s19], $0x80  }
0x75: {  	[sflag:s19] =	ssyncset.done $0x0  }
0x76: {  	[sflag:s19] =	ssyncadd.s32 $0xFFFFFF80  }
0x77: {  	[tilespmem:s20], [sflag:$0x3] =	stream.indirect.gather [hbm4b:s4+s24], $0x80, s18, s24, $0xb8;
	[tilespmem:$0x1E200] =	vst v63  }
0x78: {  	_ = 	snop  }
0x79: {  	[spmem:s1] =	stream.indirect.scatter.add.f32 [tilespmem:s25], [sflag:$0x5], $0x80, s31, s24, $0xb8;
	[tilespmem:$0x1E200] =	vst v63  }
0x7a: {  	_ =	swait.ge [sflag:s14], $0x4000  }
0x7b: {  	[sflag:s14] =	ssyncset.done $0x0  }
0x7c: {  	[sflag:s14] =	ssyncadd.s32 $0xFFFFC000  }
0x7d: {  	_ =	swait.ge [sflag:s22], $0x4000  }
0x7e: {  	[sflag:s22] =	ssyncset.done $0x0  }
0x7f: {  	[sflag:s22] =	ssyncadd.s32 $0xFFFFC000  }
0x80: {  	_ =	swait.ge [sflag:s23], $0x80  }
0x81: {  	[sflag:s23] =	ssyncset.done $0x0  }
0x82: {  	[sflag:s23] =	ssyncadd.s32 $0xFFFFFF80  }
0x83: {  	[tilespmem:s25], [sflag:$0x4] =	stream.indirect.gather [hbm4b:s4+s24], $0x80, s21, s24, $0xb8;
	[tilespmem:$0x1E200] =	vst v63  }
0x84: {  	s29 =	simm.s32 $0x2700  }
0x85: {  	[spmem:s1] =	stream.indirect.scatter.add.f32 [tilespmem:s20], [sflag:$0x5], $0x80, s29, s24, $0xb8;
	[tilespmem:$0x1E200] =	vst v63  }
0x86: {  	_ =	swait.ge [sflag:s14], $0x4000  }
0x87: {  	[sflag:s14] =	ssyncset.done $0x0  }
0x88: {  	[sflag:s14] =	ssyncadd.s32 $0xFFFFC000  }
0x89: {  	_ =	swait.ge [sflag:s26], $0x4000  }
0x8a: {  	[sflag:s26] =	ssyncset.done $0x0  }
0x8b: {  	s31 =	simm.s32 $0x2780;
	[sflag:s26] =	ssyncadd.s32 $0xFFFFC000  }
0x8c: {  	[spmem:s1] =	stream.indirect.scatter.add.f32 [tilespmem:s25], [sflag:$0x5], $0x80, s31, s24, $0xb8;
	[tilespmem:$0x1E200] =	vst v63  }
0x8d: {  	_ =	swait.ge [sflag:s14], $0x4000  }
0x8e: {  	[sflag:s14] =	ssyncset.done $0x0  }
0x8f: {  	[sflag:s14] =	ssyncadd.s32 $0xFFFFC000  }
0x90: {  	[bflag:$0x0] =	sbarrier.arrive $0xFFFF  }
0x91: {  	[hbm:s11], [sflag:s15] =	dma.local [spmem:s16], $0x2700  }
0x92: {  	s30 =	sadd.s32 $0x1, s30;
	_ =	swait.ge [sflag:s14], $0x2700  }
0x93: {  	p1 =	sne.s32 s30, s13;
	[sflag:s14] =	ssyncset.done $0x0  }
.Ltmp1:
0x94: {  	s0 =	simm.s32 @!p0 $0x5;
	[sflag:s14] =	ssyncadd.s32 $0xFFFFD900;
	(pc) =	sbr.rel @p1 .LBB2_1-.Ltmp1, $4  }
0x95: {  	[hbm:s12], [sflag:s15] =	dma.local @!p0 [spmem:s17], $0x100  }
0x96: {  	_ =	swait.ge @!p0 [sflag:s0], $0x100  }
0x97: {  	[sflag:s0] =	ssyncset.done @!p0 $0x0  }
0x98: {  	[sflag:s0] =	ssyncadd.s32 @!p0 $0xFFFFFF00  }
0x99: {  	_ =	sfence.sel $0x180000  }
0x9a: {  	[bflag:$0x0] =	sbarrier.arrive $0xFFFF  }
0x9b: {  	_ =	strace $0x9000004A  }
0x9c: {  	[bflag:$0x2] =	sbarrier.arrive $0xFFFF  }
0x9d: {  	s0 =	rddreg [dreg:$0x2]  }
0x9e: {  	s0 =	sadd.s32 @!p0 $0x100000, s0  }
0x9f: {  	[sflag:s0] =	ssyncadd.tile.s32 @!p0 $0x1;
	_ =	shalt  }
.Lfunc_end2:
_tile_overlayer_lowered:
.L_overlay_start_2:
0xa0: {  	(tag) =	ssettag $0x2  }
0xa1: {  	s0 =	rddreg [dreg:$0x0];
	s2 =	stileid.u32  }
0xa2: {  	s1 =	rddreg [dreg:$0x1];
	p0 =	sne.s32 s2, $0x0  }
0xa3: {  	s3 =	rddreg [dreg:$0x2];
	[bflag:$0x3] =	sbarrier.arrive $0xFFFF;
	s2 =	simm.s32 @!p0 $0x1C05  }
0xa4: {  	[timem:s3], [sflag:s2] =	dma.local @!p0 [hbm:s0], s1  }
0xa5: {  	s0 =	simm.s32 @!p0 $0x5  }
0xa6: {  	_ =	swait.ge @!p0 [sflag:s0], s1  }
0xa7: {  	s1 =	ssub.s32 @!p0 $0x0, s1;
	[sflag:s0] =	ssyncset.done @!p0 $0x0  }
0xa8: {  	[sflag:s0] =	ssyncadd.s32 @!p0 s1  }
0xa9: {  	[bflag:$0x3] =	sbarrier.arrive $0xFFFF  }
0xaa: {  	_ =	shalt  }

// kernel: kernel.15.cloned.1.call-start
scs
__scs_entry_jumppad:
0x0: {  	(pc) =	sbr.rel $0x88, $3  }
0x1: {  	(tag) =	ssettag $0x0;
	lr =	simm.s32 $0x1  }
0x2: {  	[smem:$0x3F9B] =	sst lr;
	_ =	strace $0xD0000000  }
0x3: {  	_ = 	snop  }
0x4: {  	_ = 	snop  }
0x5: {  	_ = 	snop  }
0x6: {  	_ = 	snop  }
0x7: {  	_ = 	snop  }
__scs_overlays_trampoline_lowered:
0x8: {  	[smem:$0x3FAA] =	sst s0  }
0x9: {  	[smem:$0x3FAB] =	sst s1  }
0xa: {  	[smem:$0x3FAC] =	sst s2  }
0xb: {  	[smem:$0x3FAD] =	sst s3  }
0xc: {  	[smem:$0x3FAE] =	sst s4  }
0xd: {  	[smem:$0x3FAF] =	sst s5  }
0xe: {  	[smem:$0x3FB0] =	sst s6  }
0xf: {  	[smem:$0x3FB1] =	sst s7  }
0x10: {  	[smem:$0x3FB2] =	sst s8  }
0x11: {  	[smem:$0x3FB3] =	sst s9;
	s0 =	simm.s32 @!p0 $0x0  }
0x12: {  	s1 =	sld [smem:$0x3F99];
	s0 =	simm.s32 @p0 $0x1  }
0x13: {  	[smem:$0x3FB4] =	sst s0;
	s0 =	simm.s32 @!p1 $0x0  }
0x14: {  	s2 =	sld [smem:$0x3F98];
	s0 =	simm.s32 @p1 $0x1  }
0x15: {  	[smem:$0x3FB5] =	sst s0;
	s0 =	simm.s32 @!p2 $0x0  }
0x16: {  	s3 =	sld [smem:$0x3FDB];
	s0 =	simm.s32 @p2 $0x1  }
0x17: {  	s4 =	simm.s32 $0x1BF5;
	[smem:$0x3FB7] =	sst s0  }
0x18: {  	s0 =	sld [smem:$0x3F9A];
	_ =	swait.ge [sflag:s4], $0x0  }
0x19: {  	s7 =	sld [smem:$0x3F9B]  }
0x1a: {  	s8 =	sadd.s32 $0xFFFFE003, lr  }
0x1b: {  	s9 =	sadd.s32 $0xFFFFFEF7, lr;
	s5 =	simm.s32 $0xFFFFFFFF;
	p2 =	slt.u32 s8, $0xFFFFF086  }
0x1c: {  	p1 =	slt.u32 s9, $0xF7A;
	s5 =	simm.s32 @!p2 $0x0  }
0x1d: {  	s5 =	simm.s32 @p1 $0x1;
	p0 =	seq.s32 s7, s2  }
0x1e: {  	s7 =	smul.u32 @!p0 $0xF7A, s2;
	p2 =	seq.s32 @!p0 s5, $0x0  }
0x1f: {  	s9 =	smul.u32 $0xF7A, s1;
	s8 =	simm.s32 @!p0 $0x1BF5;
	p2 =	por !p2, p0  }
0x20: {  	[sflag:s8] =	ssyncset.s32 @!p0 $0xFFFFF086;
	s6 =	sadd.s32 @!p0 s3, s7;
	s7 =	simm.s32 @!p0 $0x108  }
0x21: {  	s3 =	sadd.s32 s3, s9;
	s6 =	sadd.s32 @!p0 $0x88, s6;
	s7 =	simm.s32 @p2 $0x1082  }
0x22: {  	[simem:s7], [sflag:s8] =	dma.local @!p0 [hbm:s6], $0xF7A  }
0x23: {  	s9 =	sor.u32 $0xD0000000, s2;
	s6 =	simm.s32 $0x108;
	_ =	swait.ge @!p0 [sflag:s8], $0x0  }
0x24: {  	s3 =	sadd.s32 $0x88, s3;
	s6 =	simm.s32 @!p1 $0x1082;
	[sflag:s4] =	ssyncset.s32 $0xFFFFF086  }
0x25: {  	[simem:s6], [sflag:s4] =	dma.local [hbm:s3], $0xF7A  }
0x26: {  	[smem:$0x3F9B] =	sst s1;
	(tag) =	ssettag s2;
	_ =	strace s9  }
0x27: {  	s1 =	sld [smem:$0x3FAB]  }
0x28: {  	s2 =	sld [smem:$0x3FAC]  }
0x29: {  	s4 =	sld [smem:$0x3FAE]  }
0x2a: {  	p0 =	seq.s32 s5, $0x0;
	s5 =	sld [smem:$0x3FAF]  }
0x2b: {  	s6 =	sld [smem:$0x3FB0]  }
0x2c: {  	s7 =	sld [smem:$0x3FB1]  }
0x2d: {  	s3 =	simm.s32 $0x108;
	s8 =	sld [smem:$0x3FB2]  }
0x2e: {  	s3 =	simm.s32 @!p0 $0x1082;
	s9 =	sld [smem:$0x3FB3]  }
0x2f: {  	lr =	sadd.s32 s0, s3;
	s0 =	sld [smem:$0x3FAA]  }
0x30: {  	s3 =	sld [smem:$0x3FAD]  }
0x31: {  	[smem:$0x3FB6] =	sst s10  }
0x32: {  	s10 =	sld [smem:$0x3FB4];
	_ =	sdelay $0x3  }
0x33: {  	p0 =	seq.s32 s10, $0x1;
	s10 =	sld [smem:$0x3FB6];
	_ =	sdelay $0x3  }
0x34: {  	[smem:$0x3FB6] =	sst s10  }
0x35: {  	s10 =	sld [smem:$0x3FB5];
	_ =	sdelay $0x3  }
0x36: {  	p1 =	seq.s32 s10, $0x1;
	s10 =	sld [smem:$0x3FB6];
	_ =	sdelay $0x3  }
0x37: {  	[smem:$0x3FB6] =	sst s10  }
0x38: {  	s10 =	sld [smem:$0x3FB7]  }
0x39: {  	_ = 	snop;
	(pc) =	sbr.ind lr, $3  }
0x3a: {  	_ = 	snop  }
0x3b: {  	_ = 	snop  }
0x3c: {  	p2 =	seq.s32 s10, $0x1;
	s10 =	sld [smem:$0x3FB6]  }
0x3d: {  	_ =	shalt  }
0x3e: {  	_ =	shalt  }
0x3f: {  	_ =	shalt  }
0x40: {  	_ =	shalt  }
0x41: {  	_ =	shalt  }
0x42: {  	_ =	shalt  }
0x43: {  	_ =	shalt  }
0x44: {  	_ =	shalt  }
0x45: {  	_ =	shalt  }
0x46: {  	_ =	shalt  }
0x47: {  	_ =	shalt  }
0x48: {  	_ =	shalt  }
0x49: {  	_ =	shalt  }
0x4a: {  	_ =	shalt  }
0x4b: {  	_ =	shalt  }
0x4c: {  	_ =	shalt  }
0x4d: {  	_ =	shalt  }
0x4e: {  	_ =	shalt  }
0x4f: {  	_ =	shalt  }
0x50: {  	_ =	shalt  }
0x51: {  	_ =	shalt  }
0x52: {  	_ =	shalt  }
0x53: {  	_ =	shalt  }
0x54: {  	_ =	shalt  }
0x55: {  	_ =	shalt  }
0x56: {  	_ =	shalt  }
0x57: {  	_ =	shalt  }
0x58: {  	_ =	shalt  }
0x59: {  	_ =	shalt  }
0x5a: {  	_ =	shalt  }
0x5b: {  	_ =	shalt  }
0x5c: {  	_ =	shalt  }
0x5d: {  	_ =	shalt  }
0x5e: {  	_ =	shalt  }
0x5f: {  	_ =	shalt  }
0x60: {  	_ =	shalt  }
0x61: {  	_ =	shalt  }
0x62: {  	_ =	shalt  }
0x63: {  	_ =	shalt  }
0x64: {  	_ =	shalt  }
0x65: {  	_ =	shalt  }
0x66: {  	_ =	shalt  }
0x67: {  	_ =	shalt  }
0x68: {  	_ =	shalt  }
0x69: {  	_ =	shalt  }
0x6a: {  	_ =	shalt  }
0x6b: {  	_ =	shalt  }
0x6c: {  	_ =	shalt  }
0x6d: {  	_ =	shalt  }
0x6e: {  	_ =	shalt  }
0x6f: {  	_ =	shalt  }
0x70: {  	_ =	shalt  }
0x71: {  	_ =	shalt  }
0x72: {  	_ =	shalt  }
0x73: {  	_ =	shalt  }
0x74: {  	_ =	shalt  }
0x75: {  	_ =	shalt  }
0x76: {  	_ =	shalt  }
0x77: {  	_ =	shalt  }
0x78: {  	_ =	shalt  }
0x79: {  	_ =	shalt  }
0x7a: {  	_ =	shalt  }
0x7b: {  	_ =	shalt  }
0x7c: {  	_ =	shalt  }
0x7d: {  	_ =	shalt  }
0x7e: {  	_ =	shalt  }
0x7f: {  	_ =	shalt  }
0x80: {  	_ =	shalt  }
0x81: {  	_ =	shalt  }
0x82: {  	_ =	shalt  }
0x83: {  	_ =	shalt  }
0x84: {  	_ =	shalt  }
0x85: {  	_ =	shalt  }
0x86: {  	_ =	shalt  }
0x87: {  	_ =	shalt  }
.Lfunc_end0:
.L_simem_size_0:
called_computation.2_lowered:
.L_overlay_start_0:
0x88: {  	s2 =	sld [smem:$0x3FD9]  }
0x89: {  	s3 =	sld [smem:$0x3FFE];
	_ =	sdelay $0x1  }
0x8a: {  	s1 =	srdreg.scid  }
0x8b: {  	s0 =	sand.u32 $0x1, s1  }
0x8c: {  	s16 =	sshll.u32 s0, $0xA;
	s2 =	sadd.s32 s3, s2  }
0x8d: {  	s2 =	sadd.s32 s2, s16  }
0x8e: {  	[smem:$0x3FC2] =	sst s2  }
0x8f: {  	_ = 	snop  }
0x90: {  	(tm) =	ssettm $0x1  }
0x91: {  	s17 =	sld [smem:$0x3FFB];
	_ =	sdelay $0x3  }
0x92: {  	_ =	strace s17  }
0x93: {  	s2 =	sld [smem:$0x3FFC];
	_ =	sdelay $0x3  }
0x94: {  	_ =	strace s2  }
0x95: {  	s2 =	sld [smem:$0x3FFD];
	_ =	sdelay $0x3  }
0x96: {  	_ =	strace s2  }
0x97: {  	_ =	strace $0x8FFFFFFF  }
0x98: {  	s18 =	sld [smem:$0x3FDB];
	_ =	sdelay $0x1  }
0x99: {  	s19 =	simm.s32 $_scs_section_size  }
0x9a: {  	s4 =	simm.s32 $_size__tile_overlayer_lowered;
	s5 =	simm.s32 $_tile_overlayer_lowered  }
0x9b: {  	s22 =	simm.s32 $0x1BFF;
	s21 =	sshll.u32 s5, $0x1;
	s2 =	sadd.s32 s19, s18  }
0x9c: {  	s6 =	simm.s32 $0x0;
	s20 =	sshll.u32 s4, $0x1;
	s4 =	sadd.s32 s21, s2  }
0x9d: {  	[timem:s6], [sflag:s22] =	dma.local [hbm:s4], s20  }
0x9e: {  	_ =	swait.ge [sflag:s22], s20  }
0x9f: {  	s3 =	ssub.s32 $0x0, s20;
	[sflag:s22] =	ssyncset.done $0x0  }
0xa0: {  	[sflag:s22] =	ssyncadd.s32 s3;
	_ =	sdelay $0x1  }
0xa1: {  	s23 =	simm.s32 $0x1B8B  }
0xa2: {  	_ =	swait.ge [sflag:s23], $0x1  }
0xa3: {  	[sflag:s23] =	ssyncset.done $0x0  }
0xa4: {  	s25 =	simm.s32 $0x1B8E;
	s24 =	sld [smem:$0x3FFE];
	[sflag:s23] =	ssyncadd.s32 $0xFFFFFFFF  }
0xa5: {  	s26 =	simm.s32 $execute0_lowered;
	[smem:$0x3FD2] =	sst s25  }
0xa6: {  	s4 =	sshll.u32 s26, $0x1;
	_ =	strace $0x8000004C;
	[dreg:$0x1] =	wrdreg $0xFFFFFFFF  }
0xa7: {  	s28 =	simm.s32 $_size_execute0_lowered;
	s2 =	sadd.s32 s2, s4;
	[dreg:$0x0] =	wrdreg $0x0  }
0xa8: {  	s4 =	sshll.u32 s28, $0x1;
	[dreg:$0x2] =	wrdreg s2  }
0xa9: {  	[dreg:$0x3] =	wrdreg s4  }
0xaa: {  	[dreg:$0x4] =	wrdreg $0xC0  }
0xab: {  	_ =	task [dreg:s6], $0x5FFFF  }
0xac: {  	[dreg:$0x1] =	wrdreg $0xFFFFFFFF  }
0xad: {  	[dreg:$0x0] =	wrdreg $0x60  }
0xae: {  	[dreg:$0x2] =	wrdreg s24  }
0xaf: {  	[dreg:$0x3] =	wrdreg $0xA9000  }
0xb0: {  	[dreg:$0x4] =	wrdreg $0x9  }
0xb1: {  	_ =	task.clear_ibuf [dreg:s6], $0x5FFFF;
	_ =	strace $0x9000004C  }
0xb2: {  	s29 =	simm.s32 $0x9;
	_ =	strace $0x8000004E  }
0xb3: {  	_ =	swait.ge [sflag:s29], $0x1  }
0xb4: {  	[sflag:s29] =	ssyncadd.s32 $0xFFFFFFFF  }
0xb5: {  	_ =	strace $0x9000004E  }
0xb6: {  	_ =	sfence  }
0xb7: {  	s30 =	sld [smem:$0x0];
	_ =	sdelay $0x2  }
0xb8: {  	s31 =	sshll.u32 s1, $0xD;
	s1 =	sshrl.u32 s1, $0x2  }
0xb9: {  	s3 =	sand.u32 $0x4000, s31;
	s1 =	sadd.s32 s1, s30  }
0xba: {  	s0 =	sor.u32 s3, s0;
	s1 =	sshll.u32 s1, $0x11  }
0xbb: {  	s0 =	sor.u32 s1, s0  }
0xbc: {  	s0 =	sadd.s32 $0x8F2B, s0  }
0xbd: {  	[sflag:s0] =	ssyncadd.remote.s32 $0x1  }
0xbe: {  	_ =	sfence.sel $0xFFFF  }
0xbf: {  	[dreg:$0x0] =	wrdreg $0xFFFFFFFF;
	(pc) =	sbr.abs _section_cstart, $3  }
0xc0: {  	[dreg:$0x1] =	wrdreg $0xFFFFFFFF  }
0xc1: {  	_ =	task.clear_ibuf [dreg:s6], $0x2FFFF;
	_ =	strace $0x9FFFFFFF  }
0xc2: {  	(tm) =	ssettm $0x7FFFFFFF  }
0xc3: {  	_ =	shalt  }
tec
execute0_lowered:
.L_overlay_start_1:
0x0: {  	(tag) =	ssettag $0x1  }
0x1: {  	s0 =	rddreg [dreg:$0x0]  }
0x2: {  	s2 =	srdreg.scid;
	s6 =	stileid.u32  }
0x3: {  	s1 =	rddreg [dreg:$0x1];
	s18 =	simm.s32 $0x2800;
	s19 =	simm.s32 $0x1  }
0x4: {  	s20 =	simm.s32 $0x2900;
	s21 =	simm.s32 $0x2880;
	s30 =	simm.s32 $0x0  }
0x5: {  	s7 =	sand.u32 $0x1, s2;
	s3 =	sshll.u32 s6, $0x1;
	s2 =	simm.s32 $0x0  }
0x6: {  	s4 =	sadd.s32 $0x1FC00, s0;
	s5 =	sadd.s32 $0xBC00, s0;
	s11 =	smul.u32 $0x4E000, s6  }
0x7: {  	s12 =	sadd.s32 $0x46E00, s0;
	s14 =	smul.u32 $0x13800, s6;
	s17 =	sadd.s32 $0x138000, s1  }
0x8: {  	p0 =	sne.s32 s6, $0x0;
	s31 =	sshll.u32 s6, $0x6;
	s3 =	sor.u32 s7, s3  }
0x9: {  	[smem:$0x7FF] =	sst s2;
	s10 =	ssub.s32 $0x2, s7;
	s24 =	smul.u32 $0x138800, s7  }
0xa: {  	s15 =	sor.u32 $0x1C05, s31;
	s17 =	sshrl.u32 @!p0 s17, $0x3;
	s3 =	smul.u32 $0x2800, s3  }
0xb: {  	_ =	strace $0x8000004D;
	s13 =	sshrl.u32 s10, $0x1;
	s22 =	sshrl.u32 s11, $0x2  }
0xc: {  	s23 =	sshrl.u32 s14, $0x3;
	s13 =	ssub.s32 s10, s13;
	s16 =	sadd.s32 s22, s1  }
0xd: {  	s25 =	sadd.s32 s4, s23;
	s26 =	sadd.s32 s14, s24;
	s28 =	sshrl.u32 s24, $0x3  }
0xe: {  	s14 =	simm.s32 $0x5;
	s22 =	simm.s32 $0x3;
	s23 =	simm.s32 $0x2  }
0xf: {  	s24 =	simm.s32 $0x80;
	s9 =	sshrl.u32 s3, $0x3;
	[dreg:$0x4] =	wrdreg s25  }
0x10: {  	s29 =	sadd.s32 s12, s28;
	s13 =	smax.u32 s13, $0x1;
	s16 =	sshrl.u32 s16, $0x3  }
0x11: {  	s25 =	simm.s32 $0x6900;
	s8 =	sadd.s32 s9, s0;
	s0 =	sadd.s32 $0x46C00, s0  }
0x12: {  	s9 =	sadd.s32 s5, s9;
	s8 =	sadd.s32 $0x15C00, s8;
	[dreg:$0x5] =	wrdreg s0  }
0x13: {  	s10 =	sadd.s32 $0x10, s9;
	s0 =	sshrl.u32 s26, $0x3;
	s26 =	simm.s32 $0x4  }
0x14: {  	[dreg:$0x3] =	wrdreg s8;
	s11 =	sadd.s32 s12, s0;
	s12 =	sadd.s32 $0x27000, s29  }
.LBB2_1:
0x15: {  	s0 =	rddreg [dreg:$0x3]  }
0x16: {  	[tilespmem:s2], [sflag:$0x5] =	stream.linear.gather [hbm4b:s0+s2], $0x2800, $0x38;
	[tilespmem:$0x1E200] =	vst v63  }
0x17: {  	_ =	swait.ge [sflag:s14], $0x2800  }
0x18: {  	[sflag:s14] =	ssyncset.done $0x0  }
0x19: {  	s7 =	rddreg [dreg:$0x4];
	[sflag:s14] =	ssyncadd.s32 $0xFFFFD800  }
0x1a: {  	[spmem:s16], [sflag:s15] =	dma.local [hbm:s7], $0x2700  }
0x1b: {  	_ =	swait.ge [sflag:s14], $0x2700  }
0x1c: {  	[sflag:s14] =	ssyncset.done $0x0  }
0x1d: {  	s0 =	rddreg [dreg:$0x5];
	[sflag:s14] =	ssyncadd.s32 $0xFFFFD900  }
0x1e: {  	[spmem:s17], [sflag:s15] =	dma.local @!p0 [hbm:s0], $0x100  }
0x1f: {  	s0 =	simm.s32 @!p0 $0x5  }
0x20: {  	_ =	swait.ge @!p0 [sflag:s0], $0x100  }
0x21: {  	[sflag:s0] =	ssyncset.done @!p0 $0x0  }
0x22: {  	[sflag:s0] =	ssyncadd.s32 @!p0 $0xFFFFFF00  }
0x23: {  	[bflag:$0x0] =	sbarrier.arrive $0xFFFF  }
0x24: {  	[tilespmem:s18], [sflag:$0x1] =	stream.linear.gather [hbm4b:s9+s2], $0x80, $0x38;
	[tilespmem:$0x1E200] =	vst v63  }
0x25: {  	_ =	swait.ge [sflag:s19], $0x80  }
0x26: {  	s8 =	simm.s32 $0x100;
	[sflag:s19] =	ssyncset.done $0x0  }
0x27: {  	s6 =	sand.u32 $0x7C00, s8;
	[sflag:s19] =	ssyncadd.s32 $0xFFFFFF80  }
0x28: {  	[tilespmem:s20], [sflag:$0x3] =	stream.indirect.gather [hbm4b:s4+s24], $0x80, s18, s24, $0xb8;
	[tilespmem:$0x1E200] =	vst v63  }
0x29: {  	s6 =	sadd.s32 s3, s6;
	s0 =	sand.u32 $0x300, s8  }
0x2a: {  	[tilespmem:s21], [sflag:$0x2] =	stream.linear.gather [hbm4b:s10+s2], $0x80, $0x38;
	[tilespmem:$0x1E200] =	vst v63  }
0x2b: {  	s0 =	sor.u32 s0, s6;
	_ =	swait.ge [sflag:s22], $0x4000  }
0x2c: {  	s0 =	sshrl.u32 s0, $0x3;
	[sflag:s22] =	ssyncset.done $0x0  }
0x2d: {  	s0 =	sadd.s32 s5, s0;
	[sflag:s22] =	ssyncadd.s32 $0xFFFFC000  }
0x2e: {  	[tilespmem:s18], [sflag:$0x1] =	stream.linear.gather [hbm4b:s0+s2], $0x80, $0x38;
	[tilespmem:$0x1E200] =	vst v63  }
0x2f: {  	_ =	swait.ge [sflag:s23], $0x80  }
0x30: {  	[sflag:s23] =	ssyncset.done $0x0  }
0x31: {  	[sflag:s23] =	ssyncadd.s32 $0xFFFFFF80  }
0x32: {  	[tilespmem:s25], [sflag:$0x4] =	stream.indirect.gather [hbm4b:s4+s24], $0x80, s21, s24, $0xb8;
	[tilespmem:$0x1E200] =	vst v63  }
0x33: {  	s6 =	simm.s32 $0x0  }
0x34: {  	[spmem:s1] =	stream.indirect.scatter.add.f32 [tilespmem:s20], [sflag:$0x5], $0x80, s6, s24, $0xb8;
	[tilespmem:$0x1E200] =	vst v63  }
0x35: {  	s7 =	simm.s32 $0x180;
	_ =	swait.ge [sflag:s14], $0x4000  }
0x36: {  	s8 =	sand.u32 $0x7C00, s7;
	[sflag:s14] =	ssyncset.done $0x0  }
0x37: {  	s0 =	sand.u32 $0x380, s7;
	s6 =	sadd.s32 s3, s8;
	[sflag:s14] =	ssyncadd.s32 $0xFFFFC000  }
0x38: {  	s0 =	sor.u32 s0, s6;
	_ =	swait.ge [sflag:s26], $0x4000  }
0x39: {  	s0 =	sshrl.u32 s0, $0x3;
	[sflag:s26] =	ssyncset.done $0x0  }
0x3a: {  	s0 =	sadd.s32 s5, s0;
	[sflag:s26] =	ssyncadd.s32 $0xFFFFC000  }
0x3b: {  	[tilespmem:s21], [sflag:$0x2] =	stream.linear.gather [hbm4b:s0+s2], $0x80, $0x38;
	[tilespmem:$0x1E200] =	vst v63  }
0x3c: {  	_ =	swait.ge [sflag:s19], $0x80  }
0x3d: {  	[sflag:s19] =	ssyncset.done $0x0  }
0x3e: {  	[sflag:s19] =	ssyncadd.s32 $0xFFFFFF80  }
0x3f: {  	[tilespmem:s20], [sflag:$0x3] =	stream.indirect.gather [hbm4b:s4+s24], $0x80, s18, s24, $0xb8;
	[tilespmem:$0x1E200] =	vst v63  }
0x40: {  	_ = 	snop  }
0x41: {  	[spmem:s1] =	stream.indirect.scatter.add.f32 [tilespmem:s25], [sflag:$0x5], $0x80, s24, s24, $0xb8;
	[tilespmem:$0x1E200] =	vst v63  }
0x42: {  	s28 =	simm.s32 $0x380;
	s29 =	simm.s32 $0x200;
	_ =	swait.ge [sflag:s14], $0x4000  }
0x43: {  	s31 =	simm.s32 $0x180;
	s0 =	simm.s32 $0x280;
	[sflag:s14] =	ssyncset.done $0x0  }
.LBB2_2:
0x44: {  	s7 =	sand.u32 $0x7C00, s29  }
0x45: {  	[sflag:s14] =	ssyncadd.s32 $0xFFFFC000;
	s8 =	smov.u32 s28;
	s6 =	sadd.s32 $0x100, s28  }
0x46: {  	p1 =	sne.s32 s28, $0x2780;
	s28 =	sand.u32 $0x300, s29;
	s7 =	sadd.s32 s3, s7  }
0x47: {  	_ =	swait.ge [sflag:s22], $0x4000;
	s7 =	sor.u32 s28, s7  }
0x48: {  	[sflag:s22] =	ssyncset.done $0x0;
	s7 =	sshrl.u32 s7, $0x3  }
0x49: {  	[sflag:s22] =	ssyncadd.s32 $0xFFFFC000;
	s7 =	sadd.s32 s5, s7  }
0x4a: {  	[tilespmem:s18], [sflag:$0x1] =	stream.linear.gather [hbm4b:s7+s2], $0x80, $0x38;
	[tilespmem:$0x1E200] =	vst v63  }
0x4b: {  	_ =	swait.ge [sflag:s23], $0x80  }
0x4c: {  	[sflag:s23] =	ssyncset.done $0x0  }
0x4d: {  	[sflag:s23] =	ssyncadd.s32 $0xFFFFFF80  }
0x4e: {  	[tilespmem:s25], [sflag:$0x4] =	stream.indirect.gather [hbm4b:s4+s24], $0x80, s21, s24, $0xb8;
	[tilespmem:$0x1E200] =	vst v63  }
0x4f: {  	s7 =	sadd.s32 $0xFFFFFF80, s31  }
0x50: {  	[spmem:s1] =	stream.indirect.scatter.add.f32 [tilespmem:s20], [sflag:$0x5], $0x80, s7, s24, $0xb8;
	[tilespmem:$0x1E200] =	vst v63  }
0x51: {  	_ =	swait.ge [sflag:s14], $0x4000  }
0x52: {  	s7 =	sand.u32 $0x7C00, s0;
	[sflag:s14] =	ssyncset.done $0x0  }
0x53: {  	s0 =	sand.u32 $0x380, s0;
	s7 =	sadd.s32 s3, s7;
	[sflag:s14] =	ssyncadd.s32 $0xFFFFC000  }
0x54: {  	s7 =	sor.u32 s0, s7;
	s0 =	smov.u32 s8;
	_ =	swait.ge [sflag:s26], $0x4000  }
0x55: {  	s7 =	sshrl.u32 s7, $0x3;
	[sflag:s26] =	ssyncset.done $0x0  }
0x56: {  	s7 =	sadd.s32 s5, s7;
	[sflag:s26] =	ssyncadd.s32 $0xFFFFC000  }
0x57: {  	[tilespmem:s21], [sflag:$0x2] =	stream.linear.gather [hbm4b:s7+s2], $0x80, $0x38;
	[tilespmem:$0x1E200] =	vst v63  }
0x58: {  	_ =	swait.ge [sflag:s19], $0x80  }
0x59: {  	[sflag:s19] =	ssyncset.done $0x0  }
0x5a: {  	[sflag:s19] =	ssyncadd.s32 $0xFFFFFF80  }
0x5b: {  	[tilespmem:s20], [sflag:$0x3] =	stream.indirect.gather [hbm4b:s4+s24], $0x80, s18, s24, $0xb8;
	[tilespmem:$0x1E200] =	vst v63  }
.Ltmp0:
0x5c: {  	_ = 	snop;
	(pc) =	sbr.rel @p1 .LBB2_2-.Ltmp0, $4  }
0x5d: {  	_ = 	snop  }
0x5e: {  	[spmem:s1] =	stream.indirect.scatter.add.f32 [tilespmem:s25], [sflag:$0x5], $0x80, s31, s24, $0xb8;
	[tilespmem:$0x1E200] =	vst v63  }
0x5f: {  	s28 =	smov.u32 s6;
	_ =	swait.ge [sflag:s14], $0x4000  }
0x60: {  	s29 =	sadd.s32 $0xFFFFFF80, s0;
	s31 =	sadd.s32 $0x100, s31;
	[sflag:s14] =	ssyncset.done $0x0  }
0x61: {  	s6 =	sand.u32 $0x7C00, s29  }
0x62: {  	[sflag:s14] =	ssyncadd.s32 $0xFFFFC000;
	s7 =	sand.u32 $0x300, s29;
	s6 =	sadd.s32 s3, s6  }
0x63: {  	_ =	swait.ge [sflag:s22], $0x4000;
	s6 =	sor.u32 s7, s6  }
0x64: {  	[sflag:s22] =	ssyncset.done $0x0;
	s6 =	sshrl.u32 s6, $0x3  }
0x65: {  	[sflag:s22] =	ssyncadd.s32 $0xFFFFC000;
	s6 =	sadd.s32 s5, s6  }
0x66: {  	[tilespmem:s18], [sflag:$0x1] =	stream.linear.gather [hbm4b:s6+s2], $0x80, $0x38;
	[tilespmem:$0x1E200] =	vst v63  }
0x67: {  	_ =	swait.ge [sflag:s23], $0x80  }
0x68: {  	[sflag:s23] =	ssyncset.done $0x0  }
0x69: {  	[sflag:s23] =	ssyncadd.s32 $0xFFFFFF80  }
0x6a: {  	[tilespmem:s25], [sflag:$0x4] =	stream.indirect.gather [hbm4b:s4+s24], $0x80, s21, s24, $0xb8;
	[tilespmem:$0x1E200] =	vst v63  }
0x6b: {  	s7 =	sadd.s32 $0xFFFFFF80, s31  }
0x6c: {  	[spmem:s1] =	stream.indirect.scatter.add.f32 [tilespmem:s20], [sflag:$0x5], $0x80, s7, s24, $0xb8;
	[tilespmem:$0x1E200] =	vst v63  }
0x6d: {  	_ =	swait.ge [sflag:s14], $0x4000  }
0x6e: {  	s8 =	sand.u32 $0x7C00, s0;
	[sflag:s14] =	ssyncset.done $0x0  }
0x6f: {  	s28 =	sand.u32 $0x380, s0;
	s6 =	sadd.s32 s3, s8;
	[sflag:s14] =	ssyncadd.s32 $0xFFFFC000  }
0x70: {  	s0 =	sor.u32 s28, s6;
	_ =	swait.ge [sflag:s26], $0x4000  }
0x71: {  	s0 =	sshrl.u32 s0, $0x3;
	[sflag:s26] =	ssyncset.done $0x0  }
0x72: {  	s0 =	sadd.s32 s5, s0;
	[sflag:s26] =	ssyncadd.s32 $0xFFFFC000  }
0x73: {  	[tilespmem:s21], [sflag:$0x2] =	stream.linear.gather [hbm4b:s0+s2], $0x80, $0x38;
	[tilespmem:$0x1E200] =	vst v63  }
0x74: {  	_ =	swait.ge [sflag:s19], $0x80  }
0x75: {  	[sflag:s19] =	ssyncset.done $0x0  }
0x76: {  	[sflag:s19] =	ssyncadd.s32 $0xFFFFFF80  }
0x77: {  	[tilespmem:s20], [sflag:$0x3] =	stream.indirect.gather [hbm4b:s4+s24], $0x80, s18, s24, $0xb8;
	[tilespmem:$0x1E200] =	vst v63  }
0x78: {  	_ = 	snop  }
0x79: {  	[spmem:s1] =	stream.indirect.scatter.add.f32 [tilespmem:s25], [sflag:$0x5], $0x80, s31, s24, $0xb8;
	[tilespmem:$0x1E200] =	vst v63  }
0x7a: {  	_ =	swait.ge [sflag:s14], $0x4000  }
0x7b: {  	[sflag:s14] =	ssyncset.done $0x0  }
0x7c: {  	[sflag:s14] =	ssyncadd.s32 $0xFFFFC000  }
0x7d: {  	_ =	swait.ge [sflag:s22], $0x4000  }
0x7e: {  	[sflag:s22] =	ssyncset.done $0x0  }
0x7f: {  	[sflag:s22] =	ssyncadd.s32 $0xFFFFC000  }
0x80: {  	_ =	swait.ge [sflag:s23], $0x80  }
0x81: {  	[sflag:s23] =	ssyncset.done $0x0  }
0x82: {  	[sflag:s23] =	ssyncadd.s32 $0xFFFFFF80  }
0x83: {  	[tilespmem:s25], [sflag:$0x4] =	stream.indirect.gather [hbm4b:s4+s24], $0x80, s21, s24, $0xb8;
	[tilespmem:$0x1E200] =	vst v63  }
0x84: {  	s29 =	simm.s32 $0x2700  }
0x85: {  	[spmem:s1] =	stream.indirect.scatter.add.f32 [tilespmem:s20], [sflag:$0x5], $0x80, s29, s24, $0xb8;
	[tilespmem:$0x1E200] =	vst v63  }
0x86: {  	_ =	swait.ge [sflag:s14], $0x4000  }
0x87: {  	[sflag:s14] =	ssyncset.done $0x0  }
0x88: {  	[sflag:s14] =	ssyncadd.s32 $0xFFFFC000  }
0x89: {  	_ =	swait.ge [sflag:s26], $0x4000  }
0x8a: {  	[sflag:s26] =	ssyncset.done $0x0  }
0x8b: {  	s31 =	simm.s32 $0x2780;
	[sflag:s26] =	ssyncadd.s32 $0xFFFFC000  }
0x8c: {  	[spmem:s1] =	stream.indirect.scatter.add.f32 [tilespmem:s25], [sflag:$0x5], $0x80, s31, s24, $0xb8;
	[tilespmem:$0x1E200] =	vst v63  }
0x8d: {  	_ =	swait.ge [sflag:s14], $0x4000  }
0x8e: {  	[sflag:s14] =	ssyncset.done $0x0  }
0x8f: {  	[sflag:s14] =	ssyncadd.s32 $0xFFFFC000  }
0x90: {  	[bflag:$0x0] =	sbarrier.arrive $0xFFFF  }
0x91: {  	[hbm:s11], [sflag:s15] =	dma.local [spmem:s16], $0x2700  }
0x92: {  	s30 =	sadd.s32 $0x1, s30;
	_ =	swait.ge [sflag:s14], $0x2700  }
0x93: {  	p1 =	sne.s32 s30, s13;
	[sflag:s14] =	ssyncset.done $0x0  }
.Ltmp1:
0x94: {  	s0 =	simm.s32 @!p0 $0x5;
	[sflag:s14] =	ssyncadd.s32 $0xFFFFD900;
	(pc) =	sbr.rel @p1 .LBB2_1-.Ltmp1, $4  }
0x95: {  	[hbm:s12], [sflag:s15] =	dma.local @!p0 [spmem:s17], $0x100  }
0x96: {  	_ =	swait.ge @!p0 [sflag:s0], $0x100  }
0x97: {  	[sflag:s0] =	ssyncset.done @!p0 $0x0  }
0x98: {  	[sflag:s0] =	ssyncadd.s32 @!p0 $0xFFFFFF00  }
0x99: {  	_ =	sfence.sel $0x180000  }
0x9a: {  	[bflag:$0x0] =	sbarrier.arrive $0xFFFF  }
0x9b: {  	_ =	strace $0x9000004D  }
0x9c: {  	[bflag:$0x2] =	sbarrier.arrive $0xFFFF  }
0x9d: {  	s0 =	rddreg [dreg:$0x2]  }
0x9e: {  	s0 =	sadd.s32 @!p0 $0x100000, s0  }
0x9f: {  	[sflag:s0] =	ssyncadd.tile.s32 @!p0 $0x1;
	_ =	shalt  }
.Lfunc_end2:
_tile_overlayer_lowered:
.L_overlay_start_2:
0xa0: {  	(tag) =	ssettag $0x2  }
0xa1: {  	s0 =	rddreg [dreg:$0x0];
	s2 =	stileid.u32  }
0xa2: {  	s1 =	rddreg [dreg:$0x1];
	p0 =	sne.s32 s2, $0x0  }
0xa3: {  	s3 =	rddreg [dreg:$0x2];
	[bflag:$0x3] =	sbarrier.arrive $0xFFFF;
	s2 =	simm.s32 @!p0 $0x1C05  }
0xa4: {  	[timem:s3], [sflag:s2] =	dma.local @!p0 [hbm:s0], s1  }
0xa5: {  	s0 =	simm.s32 @!p0 $0x5  }
0xa6: {  	_ =	swait.ge @!p0 [sflag:s0], s1  }
0xa7: {  	s1 =	ssub.s32 @!p0 $0x0, s1;
	[sflag:s0] =	ssyncset.done @!p0 $0x0  }
0xa8: {  	[sflag:s0] =	ssyncadd.s32 @!p0 s1  }
0xa9: {  	[bflag:$0x3] =	sbarrier.arrive $0xFFFF  }
0xaa: {  	_ =	shalt  }

// kernel: kernel.9.cloned.1.call-start
scs
__scs_entry_jumppad:
0x0: {  	(pc) =	sbr.rel $0x88, $3  }
0x1: {  	(tag) =	ssettag $0x0;
	lr =	simm.s32 $0x1  }
0x2: {  	[smem:$0x3F9B] =	sst lr;
	_ =	strace $0xD0000000  }
0x3: {  	_ = 	snop  }
0x4: {  	_ = 	snop  }
0x5: {  	_ = 	snop  }
0x6: {  	_ = 	snop  }
0x7: {  	_ = 	snop  }
__scs_overlays_trampoline_lowered:
0x8: {  	[smem:$0x3FAA] =	sst s0  }
0x9: {  	[smem:$0x3FAB] =	sst s1  }
0xa: {  	[smem:$0x3FAC] =	sst s2  }
0xb: {  	[smem:$0x3FAD] =	sst s3  }
0xc: {  	[smem:$0x3FAE] =	sst s4  }
0xd: {  	[smem:$0x3FAF] =	sst s5  }
0xe: {  	[smem:$0x3FB0] =	sst s6  }
0xf: {  	[smem:$0x3FB1] =	sst s7  }
0x10: {  	[smem:$0x3FB2] =	sst s8  }
0x11: {  	[smem:$0x3FB3] =	sst s9;
	s0 =	simm.s32 @!p0 $0x0  }
0x12: {  	s1 =	sld [smem:$0x3F99];
	s0 =	simm.s32 @p0 $0x1  }
0x13: {  	[smem:$0x3FB4] =	sst s0;
	s0 =	simm.s32 @!p1 $0x0  }
0x14: {  	s2 =	sld [smem:$0x3F98];
	s0 =	simm.s32 @p1 $0x1  }
0x15: {  	[smem:$0x3FB5] =	sst s0;
	s0 =	simm.s32 @!p2 $0x0  }
0x16: {  	s3 =	sld [smem:$0x3FDB];
	s0 =	simm.s32 @p2 $0x1  }
0x17: {  	s4 =	simm.s32 $0x1BF5;
	[smem:$0x3FB7] =	sst s0  }
0x18: {  	s0 =	sld [smem:$0x3F9A];
	_ =	swait.ge [sflag:s4], $0x0  }
0x19: {  	s7 =	sld [smem:$0x3F9B]  }
0x1a: {  	s8 =	sadd.s32 $0xFFFFE003, lr  }
0x1b: {  	s9 =	sadd.s32 $0xFFFFFEF7, lr;
	s5 =	simm.s32 $0xFFFFFFFF;
	p2 =	slt.u32 s8, $0xFFFFF086  }
0x1c: {  	p1 =	slt.u32 s9, $0xF7A;
	s5 =	simm.s32 @!p2 $0x0  }
0x1d: {  	s5 =	simm.s32 @p1 $0x1;
	p0 =	seq.s32 s7, s2  }
0x1e: {  	s7 =	smul.u32 @!p0 $0xF7A, s2;
	p2 =	seq.s32 @!p0 s5, $0x0  }
0x1f: {  	s9 =	smul.u32 $0xF7A, s1;
	s8 =	simm.s32 @!p0 $0x1BF5;
	p2 =	por !p2, p0  }
0x20: {  	[sflag:s8] =	ssyncset.s32 @!p0 $0xFFFFF086;
	s6 =	sadd.s32 @!p0 s3, s7;
	s7 =	simm.s32 @!p0 $0x108  }
0x21: {  	s3 =	sadd.s32 s3, s9;
	s6 =	sadd.s32 @!p0 $0x88, s6;
	s7 =	simm.s32 @p2 $0x1082  }
0x22: {  	[simem:s7], [sflag:s8] =	dma.local @!p0 [hbm:s6], $0xF7A  }
0x23: {  	s9 =	sor.u32 $0xD0000000, s2;
	s6 =	simm.s32 $0x108;
	_ =	swait.ge @!p0 [sflag:s8], $0x0  }
0x24: {  	s3 =	sadd.s32 $0x88, s3;
	s6 =	simm.s32 @!p1 $0x1082;
	[sflag:s4] =	ssyncset.s32 $0xFFFFF086  }
0x25: {  	[simem:s6], [sflag:s4] =	dma.local [hbm:s3], $0xF7A  }
0x26: {  	[smem:$0x3F9B] =	sst s1;
	(tag) =	ssettag s2;
	_ =	strace s9  }
0x27: {  	s1 =	sld [smem:$0x3FAB]  }
0x28: {  	s2 =	sld [smem:$0x3FAC]  }
0x29: {  	s4 =	sld [smem:$0x3FAE]  }
0x2a: {  	p0 =	seq.s32 s5, $0x0;
	s5 =	sld [smem:$0x3FAF]  }
0x2b: {  	s6 =	sld [smem:$0x3FB0]  }
0x2c: {  	s7 =	sld [smem:$0x3FB1]  }
0x2d: {  	s3 =	simm.s32 $0x108;
	s8 =	sld [smem:$0x3FB2]  }
0x2e: {  	s3 =	simm.s32 @!p0 $0x1082;
	s9 =	sld [smem:$0x3FB3]  }
0x2f: {  	lr =	sadd.s32 s0, s3;
	s0 =	sld [smem:$0x3FAA]  }
0x30: {  	s3 =	sld [smem:$0x3FAD]  }
0x31: {  	[smem:$0x3FB6] =	sst s10  }
0x32: {  	s10 =	sld [smem:$0x3FB4];
	_ =	sdelay $0x3  }
0x33: {  	p0 =	seq.s32 s10, $0x1;
	s10 =	sld [smem:$0x3FB6];
	_ =	sdelay $0x3  }
0x34: {  	[smem:$0x3FB6] =	sst s10  }
0x35: {  	s10 =	sld [smem:$0x3FB5];
	_ =	sdelay $0x3  }
0x36: {  	p1 =	seq.s32 s10, $0x1;
	s10 =	sld [smem:$0x3FB6];
	_ =	sdelay $0x3  }
0x37: {  	[smem:$0x3FB6] =	sst s10  }
0x38: {  	s10 =	sld [smem:$0x3FB7]  }
0x39: {  	_ = 	snop;
	(pc) =	sbr.ind lr, $3  }
0x3a: {  	_ = 	snop  }
0x3b: {  	_ = 	snop  }
0x3c: {  	p2 =	seq.s32 s10, $0x1;
	s10 =	sld [smem:$0x3FB6]  }
0x3d: {  	_ =	shalt  }
0x3e: {  	_ =	shalt  }
0x3f: {  	_ =	shalt  }
0x40: {  	_ =	shalt  }
0x41: {  	_ =	shalt  }
0x42: {  	_ =	shalt  }
0x43: {  	_ =	shalt  }
0x44: {  	_ =	shalt  }
0x45: {  	_ =	shalt  }
0x46: {  	_ =	shalt  }
0x47: {  	_ =	shalt  }
0x48: {  	_ =	shalt  }
0x49: {  	_ =	shalt  }
0x4a: {  	_ =	shalt  }
0x4b: {  	_ =	shalt  }
0x4c: {  	_ =	shalt  }
0x4d: {  	_ =	shalt  }
0x4e: {  	_ =	shalt  }
0x4f: {  	_ =	shalt  }
0x50: {  	_ =	shalt  }
0x51: {  	_ =	shalt  }
0x52: {  	_ =	shalt  }
0x53: {  	_ =	shalt  }
0x54: {  	_ =	shalt  }
0x55: {  	_ =	shalt  }
0x56: {  	_ =	shalt  }
0x57: {  	_ =	shalt  }
0x58: {  	_ =	shalt  }
0x59: {  	_ =	shalt  }
0x5a: {  	_ =	shalt  }
0x5b: {  	_ =	shalt  }
0x5c: {  	_ =	shalt  }
0x5d: {  	_ =	shalt  }
0x5e: {  	_ =	shalt  }
0x5f: {  	_ =	shalt  }
0x60: {  	_ =	shalt  }
0x61: {  	_ =	shalt  }
0x62: {  	_ =	shalt  }
0x63: {  	_ =	shalt  }
0x64: {  	_ =	shalt  }
0x65: {  	_ =	shalt  }
0x66: {  	_ =	shalt  }
0x67: {  	_ =	shalt  }
0x68: {  	_ =	shalt  }
0x69: {  	_ =	shalt  }
0x6a: {  	_ =	shalt  }
0x6b: {  	_ =	shalt  }
0x6c: {  	_ =	shalt  }
0x6d: {  	_ =	shalt  }
0x6e: {  	_ =	shalt  }
0x6f: {  	_ =	shalt  }
0x70: {  	_ =	shalt  }
0x71: {  	_ =	shalt  }
0x72: {  	_ =	shalt  }
0x73: {  	_ =	shalt  }
0x74: {  	_ =	shalt  }
0x75: {  	_ =	shalt  }
0x76: {  	_ =	shalt  }
0x77: {  	_ =	shalt  }
0x78: {  	_ =	shalt  }
0x79: {  	_ =	shalt  }
0x7a: {  	_ =	shalt  }
0x7b: {  	_ =	shalt  }
0x7c: {  	_ =	shalt  }
0x7d: {  	_ =	shalt  }
0x7e: {  	_ =	shalt  }
0x7f: {  	_ =	shalt  }
0x80: {  	_ =	shalt  }
0x81: {  	_ =	shalt  }
0x82: {  	_ =	shalt  }
0x83: {  	_ =	shalt  }
0x84: {  	_ =	shalt  }
0x85: {  	_ =	shalt  }
0x86: {  	_ =	shalt  }
0x87: {  	_ =	shalt  }
.Lfunc_end0:
.L_simem_size_0:
called_computation_lowered:
.L_overlay_start_0:
0x88: {  	s2 =	sld [smem:$0x3FD9]  }
0x89: {  	s3 =	sld [smem:$0x3FFE];
	_ =	sdelay $0x1  }
0x8a: {  	s1 =	srdreg.scid  }
0x8b: {  	s0 =	sand.u32 $0x1, s1  }
0x8c: {  	s17 =	sshll.u32 s0, $0xA;
	s2 =	sadd.s32 s3, s2  }
0x8d: {  	s2 =	sadd.s32 s2, s17  }
0x8e: {  	[smem:$0x3FC2] =	sst s2  }
0x8f: {  	_ = 	snop  }
0x90: {  	s2 =	sld [smem:$0x3FD0];
	(tm) =	ssettm $0x1  }
0x91: {  	s18 =	sld [smem:$0x3FFB];
	_ =	sdelay $0x3  }
0x92: {  	_ =	strace s18  }
0x93: {  	s3 =	sld [smem:$0x3FFC];
	_ =	sdelay $0x3  }
0x94: {  	_ =	strace s3  }
0x95: {  	s3 =	sld [smem:$0x3FFD];
	_ =	sdelay $0x3  }
0x96: {  	_ =	strace s3  }
0x97: {  	_ =	strace $0x8FFFFFFF  }
0x98: {  	s19 =	sld [smem:$0x3FDB];
	_ =	sdelay $0x1  }
0x99: {  	s4 =	simm.s32 $_scs_section_size  }
0x9a: {  	s5 =	simm.s32 $_size__tile_overlayer_lowered;
	s6 =	simm.s32 $_tile_overlayer_lowered  }
0x9b: {  	s22 =	simm.s32 $0x1BFF;
	s21 =	sshll.u32 s6, $0x1;
	s3 =	sadd.s32 s4, s19  }
0x9c: {  	s7 =	simm.s32 $0x0;
	s20 =	sshll.u32 s5, $0x1;
	s5 =	sadd.s32 s21, s3  }
0x9d: {  	[timem:s7], [sflag:s22] =	dma.local [hbm:s5], s20  }
0x9e: {  	_ =	swait.ge [sflag:s22], s20  }
0x9f: {  	s4 =	ssub.s32 $0x0, s20;
	[sflag:s22] =	ssyncset.done $0x0  }
0xa0: {  	[sflag:s22] =	ssyncadd.s32 s4;
	_ =	sdelay $0x1  }
0xa1: {  	s23 =	simm.s32 $0x1B8B  }
0xa2: {  	_ =	swait.ge [sflag:s23], $0x1  }
0xa3: {  	[sflag:s23] =	ssyncset.done $0x0  }
0xa4: {  	s25 =	simm.s32 $0x1B8E;
	s24 =	sld [smem:$0x3FFE];
	[sflag:s23] =	ssyncadd.s32 $0xFFFFFFFF  }
0xa5: {  	s26 =	simm.s32 $execute0_lowered;
	[smem:$0x3FD2] =	sst s25  }
0xa6: {  	s5 =	sshll.u32 s26, $0x1;
	_ =	strace $0x80000046;
	[dreg:$0x1] =	wrdreg $0xFFFFFFFF  }
0xa7: {  	s28 =	simm.s32 $_size_execute0_lowered;
	s3 =	sadd.s32 s3, s5;
	[dreg:$0x0] =	wrdreg $0x0  }
0xa8: {  	s5 =	sshll.u32 s28, $0x1;
	[dreg:$0x2] =	wrdreg s3  }
0xa9: {  	[dreg:$0x3] =	wrdreg s5  }
0xaa: {  	[dreg:$0x4] =	wrdreg $0xC0  }
0xab: {  	_ =	task [dreg:s7], $0x5FFFF  }
0xac: {  	[dreg:$0x1] =	wrdreg $0xFFFFFFFF  }
0xad: {  	[dreg:$0x0] =	wrdreg $0x60  }
0xae: {  	[dreg:$0x2] =	wrdreg s2  }
0xaf: {  	[dreg:$0x3] =	wrdreg s24  }
0xb0: {  	[dreg:$0x4] =	wrdreg $0x9  }
0xb1: {  	_ =	task.clear_ibuf [dreg:s7], $0x5FFFF;
	_ =	strace $0x90000046  }
0xb2: {  	s29 =	simm.s32 $0x9;
	_ =	strace $0x80000048  }
0xb3: {  	_ =	swait.ge [sflag:s29], $0x1  }
0xb4: {  	[sflag:s29] =	ssyncadd.s32 $0xFFFFFFFF  }
0xb5: {  	_ =	strace $0x90000048  }
0xb6: {  	_ =	sfence  }
0xb7: {  	s30 =	sld [smem:$0x0];
	_ =	sdelay $0x2  }
0xb8: {  	s31 =	sshll.u32 s1, $0xD;
	s1 =	sshrl.u32 s1, $0x2  }
0xb9: {  	s3 =	sand.u32 $0x4000, s31;
	s1 =	sadd.s32 s1, s30  }
0xba: {  	s0 =	sor.u32 s3, s0;
	s1 =	sshll.u32 s1, $0x11  }
0xbb: {  	s0 =	sor.u32 s1, s0  }
0xbc: {  	s0 =	sadd.s32 $0x8F2B, s0  }
0xbd: {  	[sflag:s0] =	ssyncadd.remote.s32 $0x1  }
0xbe: {  	_ =	sfence.sel $0xFFFF  }
0xbf: {  	[dreg:$0x0] =	wrdreg $0xFFFFFFFF;
	(pc) =	sbr.abs _section_cstart, $3  }
0xc0: {  	[dreg:$0x1] =	wrdreg $0xFFFFFFFF  }
0xc1: {  	_ =	task.clear_ibuf [dreg:s7], $0x2FFFF;
	_ =	strace $0x9FFFFFFF  }
0xc2: {  	(tm) =	ssettm $0x7FFFFFFF  }
0xc3: {  	_ =	shalt  }
tec
execute0_lowered:
.L_overlay_start_1:
0x0: {  	(tag) =	ssettag $0x1  }
0x1: {  	s3 =	rddreg [dreg:$0x0]  }
0x2: {  	s1 =	srdreg.scid;
	s0 =	stileid.u32  }
0x3: {  	s4 =	rddreg [dreg:$0x1];
	s5 =	sand.u32 $0x1, s1;
	s2 =	sshll.u32 s0, $0x1  }
0x4: {  	s1 =	rddreg [dreg:$0x2];
	s6 =	sor.u32 s5, s2  }
0x5: {  	s2 =	simm.s32 $0x0;
	s5 =	ssub.s32 $0x2, s5;
	s7 =	smul.u32 $0x4E4, s6  }
0x6: {  	[smem:$0x7FF] =	sst s2;
	s8 =	sshrl.u32 s5, $0x1;
	s6 =	smul.u32 $0x500, s6  }
0x7: {  	_ =	strace $0x80000047;
	s5 =	ssub.s32 s5, s8;
	s8 =	simm.s32 $0x0  }
0x8: {  	s4 =	sadd.s32 s7, s4;
	s3 =	sadd.s32 s3, s6;
	s5 =	smax.u32 s5, $0x1  }
0x9: {  	v0 =	vimm.f32 $0.0e+00;
	v1 =	vimm.f32 $1.000000000e+00;
	s6 =	simm.s32 $0x1;
	s7 =	simm.s32 $0x2800;
	s4 =	sadd.s32 $0x1E00, s4  }
.LBB2_1:
0xa: {  	[tilespmem:s2], [sflag:$0x1] =	stream.linear.gather [hbm4b:s3+s2], $0x2800, $0x38;
	[tilespmem:$0x4F80] =	vst v63  }
0xb: {  	_ =	swait.ge [sflag:s6], $0x2800  }
0xc: {  	[sflag:s6] =	ssyncset.done $0x0  }
0xd: {  	s9 =	simm.s32 $0x0;
	[sflag:s6] =	ssyncadd.s32 $0xFFFFD800  }
.LBB2_2:
0xe: {  	p0 =	sne.s32 s9, $0x9C40  }
.Ltmp0:
0xf: {  	_ = 	snop;
	(pc) =	sbr.rel @p0 .LBB2_2-.Ltmp0, $3  }
0x10: {  	_ =	sdelay $0x1  }
0x11: {  	s10 =	sshra.s32 s9, $0x2  }
0x12: {  	s9 =	sadd.s32 $0x40, s9;
	[tilespmem:s10+$0x2800] =	vst v0  }
0x13: {  	s10 =	simm.s32 $0x0;
	s9 =	simm.s32 $0x40  }
.LBB2_4:
0x14: {  	p0 =	sne.s32 s9, $0x9FC0;
	v2 =	vld [tilespmem:s10+$0x0];
	_ =	sdelay $0x3  }
.Ltmp1:
0x15: {  	(pc) =	sbr.rel @p0 .LBB2_4-.Ltmp1, $2  }
0x16: {  	_ =	sdelay $0x2  }
0x17: {  	s10 =	sshra.s32 s9, $0x2;
	s9 =	sadd.s32 $0x40, s9;
	[tilespmem:v2+s7+$0x0] =	vst.idx.add.f32.msk $0xffff, v1  }
0x18: {  	v2 =	vld [tilespmem:s10+$0x0];
	_ =	sdelay $0x5  }
0x19: {  	s8 =	sadd.s32 $0x1, s8  }
0x1a: {  	p0 =	sne.s32 s8, s5  }
.Ltmp2:
0x1b: {  	[tilespmem:v2+s7+$0x0] =	vst.idx.add.f32.msk $0xffff, v1;
	(pc) =	sbr.rel @p0 .LBB2_1-.Ltmp2, $4  }
0x1c: {  	[hbm4b:s4+s2] =	stream.linear.scatter [tilespmem:s7], [sflag:$0x1], $0x2720, $0x38;
	[tilespmem:$0x4F80] =	vst v63  }
0x1d: {  	_ =	swait.ge [sflag:s6], $0x2720  }
0x1e: {  	[sflag:s6] =	ssyncset.done $0x0  }
0x1f: {  	[sflag:s6] =	ssyncadd.s32 $0xFFFFD8E0  }
0x20: {  	_ =	sfence.sel $0x180000  }
0x21: {  	[bflag:$0x0] =	sbarrier.arrive $0xFFFF  }
0x22: {  	p0 =	sne.s32 s0, $0x0;
	_ =	strace $0x90000047  }
0x23: {  	s0 =	sadd.s32 @!p0 $0x100000, s1;
	[bflag:$0x2] =	sbarrier.arrive $0xFFFF  }
0x24: {  	[sflag:s0] =	ssyncadd.tile.s32 @!p0 $0x1;
	_ =	shalt  }
.Lfunc_end2:
_tile_overlayer_lowered:
.L_overlay_start_2:
0x25: {  	(tag) =	ssettag $0x2  }
0x26: {  	s0 =	rddreg [dreg:$0x0];
	s2 =	stileid.u32  }
0x27: {  	s1 =	rddreg [dreg:$0x1];
	p0 =	sne.s32 s2, $0x0  }
0x28: {  	s3 =	rddreg [dreg:$0x2];
	[bflag:$0x3] =	sbarrier.arrive $0xFFFF;
	s2 =	simm.s32 @!p0 $0x1C01  }
0x29: {  	[timem:s3], [sflag:s2] =	dma.local @!p0 [hbm:s0], s1  }
0x2a: {  	s0 =	simm.s32 @!p0 $0x1  }
0x2b: {  	_ =	swait.ge @!p0 [sflag:s0], s1  }
0x2c: {  	s1 =	ssub.s32 @!p0 $0x0, s1;
	[sflag:s0] =	ssyncset.done @!p0 $0x0  }
0x2d: {  	[sflag:s0] =	ssyncadd.s32 @!p0 s1  }
0x2e: {  	[bflag:$0x3] =	sbarrier.arrive $0xFFFF  }
0x2f: {  	_ =	shalt  }

</sc_bundles>
